<compile_context>
chip_gen: v7x
topology: tpu7x:2x2x1
jax: 0.10.2.dev20260603
libtpu: 0.0.44.dev20260713+nightly
codegen_flags: <defaults>
</compile_context>

<pallas_src>
import functools
import jax
import jax.numpy as jnp
from jax import lax
from jax.experimental import pallas as pl
from jax.experimental.pallas import tpu as pltpu
from jax.experimental.pallas import tpu_sc as plsc

_K = 10
_TEMP = 10.0
_NC = 133
_NCP = 136
_JP = 144
_D = 128
_P = 2048
_BIG = 1e30
_NW = 32


def _hinge_sqrt(acc):
    a = jnp.minimum(acc, 0.04)
    s = jnp.full_like(a, 0.1)
    for _ in range(12):
        s = 0.5 * (s + a / s)
    return jnp.where(acc >= 0.04, 0.0, jnp.maximum(0.2 - s, 0.0))


def _reg_partials(ce, cet):
    mesh = plsc.VectorSubcoreMesh(core_axis_name="c", subcore_axis_name="s")

    @functools.partial(
        pl.kernel, mesh=mesh,
        out_type=jax.ShapeDtypeStruct((_NW, 16), jnp.float32),
        scratch_types=[
            pltpu.VMEM((_NCP, _D), jnp.float32),
            pltpu.VMEM((_D, _JP), jnp.float32),
            pltpu.VMEM((16,), jnp.float32),
        ],
    )
    def _body(ce_hbm, cet_hbm, out_hbm, ce_v, cet_v, out_v):
        wid = lax.axis_index("s") * 2 + lax.axis_index("c")
        pltpu.sync_copy(ce_hbm, ce_v)
        pltpu.sync_copy(cet_hbm, cet_v)
        lanes = lax.iota(jnp.int32, 16)

        def row_body(r, tot):
            i = wid + r * _NW
            i_c = jnp.minimum(i, _NC - 1)

            def jc_body(jc, mxv):
                def dc_body(dc, acc):
                    chunk = ce_v[i_c, pl.ds(dc * 16, 16)]
                    for l in range(16):
                        cj = cet_v[dc * 16 + l, pl.ds(jc * 16, 16)]
                        ci = chunk.at[jnp.full((16,), l, jnp.int32)].get(
                            mode="promise_in_bounds")
                        df = ci - cj
                        acc = acc + df * df
                    return acc

                acc = lax.fori_loop(0, _D // 16, dc_body,
                                    jnp.zeros((16,), jnp.float32))
                jidx = jc * 16 + lanes
                acc = jnp.where((jidx == i_c) | (jidx >= _NC), _BIG, acc)
                rv = _hinge_sqrt(acc)
                return jnp.maximum(mxv, rv)

            mxv = lax.fori_loop(0, _JP // 16, jc_body,
                                jnp.zeros((16,), jnp.float32))
            for k in (1, 2, 4, 8):
                mxv = jnp.maximum(
                    mxv,
                    mxv.at[jnp.bitwise_xor(lanes, k)].get(
                        mode="promise_in_bounds"))
            return tot + jnp.where(i < _NC, mxv, 0.0)

        tot = lax.fori_loop(0, 5, row_body, jnp.zeros((16,), jnp.float32))
        out_v[...] = jnp.where(lanes == 0, tot, 0.0)
        pltpu.sync_copy(out_v, out_hbm.at[wid])

    return _body(ce, cet)


def _nnce_kernel(x_ref, t_ref, c_ref, acc_ref):
    b = pl.program_id(0)
    j = pl.program_id(1)

    C = c_ref[...]
    cn2_raw = jnp.sum(C * C, axis=1, keepdims=True)
    rid = jax.lax.broadcasted_iota(jnp.int32, (_NCP, 1), 0)
    cn2 = jnp.where(rid >= _NC, _BIG, cn2_raw)

    x = x_ref[0]
    qn2 = jnp.sum(x * x, axis=0, keepdims=True)
    cx = jax.lax.dot_general(
        C, x, (((1,), (0,)), ((), ())),
        precision=jax.lax.Precision.DEFAULT,
        preferred_element_type=jnp.float32)
    d2 = cn2 + qn2 - 2.0 * cx

    t = t_ref[0, 0][None, :]
    rows = jax.lax.broadcasted_iota(jnp.int32, (_NCP, _P), 0)
    is_t = rows == t
    lg = -_TEMP * jnp.sqrt(jnp.abs(d2))
    l_t = jnp.sum(jnp.where(is_t, lg, 0.0), axis=0, keepdims=True)

    lg_shift = jnp.concatenate([lg[0:1], lg[:-1]], axis=0)
    l_adj = jnp.where(is_t, lg_shift, lg)
    mx = jnp.maximum(jnp.max(l_adj, axis=0, keepdims=True), l_t)
    se = (jnp.sum(jnp.exp(l_adj - mx), axis=0, keepdims=True)
          + jnp.exp(l_t - mx))
    logp0 = l_t - mx - jnp.log(se)
    bsum = -jnp.sum(logp0, keepdims=True).reshape(1, 1)

    @pl.when(jnp.logical_and(b == 0, j == 0))
    def _init():
        acc_ref[...] = jnp.zeros_like(acc_ref)

    acc_ref[...] += bsum


def kernel(inputs, targets, class_emb):
    B, C, H, W = inputs.shape
    npix = B * H * W
    nblk = (H * W) // _P
    x = inputs.reshape(B, C, H * W)
    tg = targets.reshape(B * nblk, 1, _P)
    ce = jnp.pad(class_emb, ((0, _NCP - _NC), (0, 0)))
    cet = jnp.pad(class_emb.T, ((0, 0), (0, _JP - _NC)))

    partials = _reg_partials(ce, cet)

    acc = pl.pallas_call(
        _nnce_kernel,
        grid=(B, nblk),
        in_specs=[
            pl.BlockSpec((1, C, _P), lambda b, j: (b, 0, j)),
            pl.BlockSpec((1, 1, _P), lambda b, j: (b * nblk + j, 0, 0)),
            pl.BlockSpec((_NCP, _D), lambda b, j: (0, 0)),
        ],
        out_specs=pl.BlockSpec((1, 1), lambda b, j: (0, 0)),
        out_shape=jax.ShapeDtypeStruct((1, 1), jnp.float32),
    )(x, tg, ce)
    return acc[0, 0] / float(npix) + jnp.sum(partials) / _NC

# --- scband reference (transcript-rebuilt; emitter-appended) ---
"""Pipeline reference for scband-nncross-entropy-2044404433273 (READ-ONLY COPY).

The authoritative reference and input builder live on the scoring server;
editing this copy changes nothing except your own understanding.
"""

import jax, jax.numpy as jnp
import numpy as np

NUM_NEIGHBOURS = 10
TEMP = 10.0
N_CLASSES = 133
EMB_DIM = 128


def setup_inputs(seed: int = 0) -> dict:
    key = jax.random.key(seed)
    k1, k2, k3 = jax.random.split(key, 3)
    inputs = jax.random.normal(k1, (4, EMB_DIM, 64, 64), dtype=jnp.float32)
    targets = jax.random.randint(k2, (4, 64, 64), 0, N_CLASSES, dtype=jnp.int32)
    class_emb = jax.random.normal(k3, (N_CLASSES, EMB_DIM), dtype=jnp.float32)
    return {"inputs": inputs, "targets": targets, "class_emb": class_emb}


def _forward(inputs, targets, class_emb):
    n_classes = class_emb.shape[0]
    d = class_emb.shape[1]
    k = NUM_NEIGHBOURS
    B, C, H, W = inputs.shape
    # dataset in ['coco','cityscapes','voc'] -> remap 255 to -1
    targets = jnp.where(targets == 255, -1, targets)
    # --- kNN search (inside torch.no_grad in the original; faiss L2 index) ---
    trans_inputs = jnp.transpose(inputs, (0, 2, 3, 1)).reshape(B * H * W, d)
    q = jax.lax.stop_gradient(trans_inputs)
    ce = jax.lax.stop_gradient(class_emb)
    d2 = (jnp.sum(q * q, axis=1, keepdims=True)
          + jnp.sum(ce * ce, axis=1)[None, :]
          - 2.0 * (q @ ce.T))
    _, I = jax.lax.top_k(-d2, k)  # k smallest L2 distances
    ret_index = jnp.transpose(I.reshape(B, H, W, k), (0, 3, 1, 2))  # [B,k,H,W]
    mask_tar = targets[:, None, :, :] == ret_index
    ret_index = jnp.where(mask_tar, ret_index - 1, ret_index)
    ret_index = jnp.where(ret_index == -1, 0, ret_index)
    input_index = jnp.concatenate([targets[:, None, :, :], ret_index], axis=1)  # [B,k+1,H,W]
    # torch negative indexing wraps around
    idx = jnp.where(input_index < 0, input_index + n_classes, input_index)
    embmat = class_emb[idx]  # [B, k+1, H, W, d]
    embmat = jnp.transpose(embmat, (0, 1, 4, 2, 3))  # [B, k+1, d, H, W]
    # --- codebook min-distance regularizer ---
    diff = class_emb[:, None, :] - class_emb[None, :, :]
    dist_mat = jnp.sqrt(jnp.maximum(jnp.sum(diff * diff, axis=-1), 1e-12))
    neg_vals, _ = jax.lax.top_k(-dist_mat, 2)  # two smallest
    min_dist = -neg_vals[:, 1]
    reg_loss = jnp.sum(jnp.maximum(0.2 - min_dist, 0.0)) / n_classes
    # --- per-pixel distances to target + neighbour embeddings ---
    norm_loss = jnp.sqrt(jnp.maximum(
        jnp.sum((inputs[:, None, :, :, :] - embmat) ** 2, axis=2), 1e-12))  # [B,k+1,H,W]
    new_targets = jnp.where(targets == -1, -1, 0)
    logits = -TEMP * norm_loss
    logp = jax.nn.log_softmax(logits, axis=1)
    tgt = jnp.clip(new_targets, 0, k)
    picked = jnp.take_along_axis(logp, tgt[:, None, :, :], axis=1)[:, 0]  # [B,H,W]
    valid = (new_targets != -1).astype(jnp.float32)
    ce_loss = -jnp.sum(picked * valid) / jnp.maximum(jnp.sum(valid), 1.0)
    return ce_loss + reg_loss


def reference(inputs, targets, class_emb):
    return _forward(inputs, targets, class_emb)

if __name__ == "__main__":
    import jax
    _d = setup_inputs()
    print(jax.jit(kernel)(*tuple(_d.values())))

</pallas_src>

<mosaic_0001>
#map = affine_map<(d0, d1) -> (0, 0)>
module attributes {stable_mosaic.version = 14 : i64} {
  func.func @_body(%arg0: i32, %arg1: i32, %arg2: memref<136x128xf32, #tpu.memory_space<hbm>>, %arg3: memref<128x144xf32, #tpu.memory_space<hbm>>, %arg4: memref<32x16xf32, #tpu.memory_space<hbm>>, %arg5: memref<136x128xf32, #tpu.memory_space<vmem>>, %arg6: memref<128x144xf32, #tpu.memory_space<vmem>>, %arg7: memref<16xf32, #tpu.memory_space<vmem>>) attributes {dimension_semantics = [#tpu.dimension_semantics<core_parallel>, #tpu.dimension_semantics<subcore_parallel>], iteration_bounds = array<i64: 2, 16>, scalar_prefetch = 0 : i64, scratch_operands = 3 : i64, tpu.core_type = #tpu.core_type<sc_vector_subcore>, window_params = [{transform_indices = #map}, {transform_indices = #map}, {transform_indices = #map}]} {
    %mul3A = arith.constant 2 : i32
    %mul3A_0 = arith.muli %arg1, %mul3A : i32
    %add3A = arith.addi %mul3A_0, %arg0 : i32
    "tpu.region"() ({
      %run_scoped3A = tpu.sem_alloc : memref<!tpu.dma_semaphore, #tpu.memory_space<semaphore_mem>>
      tpu.enqueue_dma source(%arg2 : memref<136x128xf32, #tpu.memory_space<hbm>>) target(%arg5 : memref<136x128xf32, #tpu.memory_space<vmem>>) target_semaphore(%run_scoped3A : memref<!tpu.dma_semaphore, #tpu.memory_space<semaphore_mem>>)
      tpu.wait_dma2 semaphore(%run_scoped3A : memref<!tpu.dma_semaphore, #tpu.memory_space<semaphore_mem>>) src(%arg2 : memref<136x128xf32, #tpu.memory_space<hbm>>) dst(%arg5 : memref<136x128xf32, #tpu.memory_space<vmem>>)
      tpu.yield
    }) : () -> ()
    "tpu.region"() ({
      %run_scoped3A = tpu.sem_alloc : memref<!tpu.dma_semaphore, #tpu.memory_space<semaphore_mem>>
      tpu.enqueue_dma source(%arg3 : memref<128x144xf32, #tpu.memory_space<hbm>>) target(%arg6 : memref<128x144xf32, #tpu.memory_space<vmem>>) target_semaphore(%run_scoped3A : memref<!tpu.dma_semaphore, #tpu.memory_space<semaphore_mem>>)
      tpu.wait_dma2 semaphore(%run_scoped3A : memref<!tpu.dma_semaphore, #tpu.memory_space<semaphore_mem>>) src(%arg3 : memref<128x144xf32, #tpu.memory_space<hbm>>) dst(%arg6 : memref<128x144xf32, #tpu.memory_space<vmem>>)
      tpu.yield
    }) : () -> ()
    %iota3A = tpu.iota {dimensions = array<i32: 0>} : vector<16xi32>
    %broadcast_in_dim3A = arith.constant 0.000000e+00 : f32
    %broadcast_in_dim3A_1 = vector.broadcast %broadcast_in_dim3A : f32 to vector<16xf32>
    %scan3A = arith.constant 0 : i32
    %scan3A_2 = arith.constant 5 : i32
    %scan3A_3 = arith.addi %scan3A, %scan3A_2 : i32
    %scan3A_4 = arith.constant 1 : i32
    %scan3A_5 = scf.for %scan3A_13 = %scan3A to %scan3A_3 step %scan3A_4 iter_args(%scan3A_14 = %broadcast_in_dim3A_1) -> (vector<16xf32>)  : i32 {
      %mul3A_15 = arith.constant 32 : i32
      %mul3A_16 = arith.muli %scan3A_13, %mul3A_15 : i32
      %add3A_17 = arith.addi %add3A, %mul3A_16 : i32
      %min3A = arith.constant 132 : i32
      %min3A_18 = arith.minsi %add3A_17, %min3A : i32
      %broadcast_in_dim3A_19 = arith.constant 0.000000e+00 : f32
      %broadcast_in_dim3A_20 = vector.broadcast %broadcast_in_dim3A_19 : f32 to vector<16xf32>
      %scan3A_21 = arith.constant 0 : i32
      %scan3A_22 = arith.constant 9 : i32
      %scan3A_23 = arith.addi %scan3A_21, %scan3A_22 : i32
      %scan3A_24 = arith.constant 1 : i32
      %scan3A_25 = scf.for %scan3A_85 = %scan3A_21 to %scan3A_23 step %scan3A_24 iter_args(%scan3A_86 = %broadcast_in_dim3A_20) -> (vector<16xf32>)  : i32 {
        %broadcast_in_dim3A_87 = arith.constant 0.000000e+00 : f32
        %broadcast_in_dim3A_88 = vector.broadcast %broadcast_in_dim3A_87 : f32 to vector<16xf32>
        %scan3A_89 = arith.constant 0 : i32
        %scan3A_90 = arith.constant 8 : i32
        %scan3A_91 = arith.addi %scan3A_89, %scan3A_90 : i32
        %scan3A_92 = arith.constant 1 : i32
        %scan3A_93 = scf.for %scan3A_182 = %scan3A_89 to %scan3A_91 step %scan3A_92 iter_args(%scan3A_183 = %broadcast_in_dim3A_88) -> (vector<16xf32>)  : i32 {
          %mul3A_184 = arith.constant 16 : i32
          %mul3A_185 = arith.muli %scan3A_182, %mul3A_184 : i32
          %get3A = arith.index_cast %min3A_18 : i32 to index
          %get3A_186 = arith.index_cast %mul3A_185 : i32 to index
          %get3A_187 = tpu.vector_load %arg5[%get3A, %get3A_186] {strides = array<i32>} : memref<136x128xf32, #tpu.memory_space<vmem>>, vector<1x16xf32>,
          %get3A_188 = vector.shape_cast %get3A_187 : vector<1x16xf32> to vector<16xf32>
          %mul3A_189 = arith.constant 16 : i32
          %mul3A_190 = arith.muli %scan3A_182, %mul3A_189 : i32
          %add3A_191 = arith.constant 0 : i32
          %add3A_192 = arith.addi %mul3A_190, %add3A_191 : i32
          %mul3A_193 = arith.constant 16 : i32
          %mul3A_194 = arith.muli %scan3A_85, %mul3A_193 : i32
          %get3A_195 = arith.index_cast %add3A_192 : i32 to index
          %get3A_196 = arith.index_cast %mul3A_194 : i32 to index
          %get3A_197 = tpu.vector_load %arg6[%get3A_195, %get3A_196] {strides = array<i32>} : memref<128x144xf32, #tpu.memory_space<vmem>>, vector<1x16xf32>,
          %get3A_198 = vector.shape_cast %get3A_197 : vector<1x16xf32> to vector<16xf32>
          %broadcast_in_dim3A_199 = arith.constant 0 : i32
          %broadcast_in_dim3A_200 = vector.broadcast %broadcast_in_dim3A_199 : i32 to vector<16xi32>
          %lt3A_201 = arith.constant 0 : i32
          %lt3A_202 = vector.broadcast %lt3A_201 : i32 to vector<16xi32>
          %lt3A_203 = arith.cmpi slt, %broadcast_in_dim3A_200, %lt3A_202 : vector<16xi32>
          %add3A_204 = arith.constant 16 : i32
          %add3A_205 = vector.broadcast %add3A_204 : i32 to vector<16xi32>
          %add3A_206 = arith.addi %broadcast_in_dim3A_200, %add3A_205 : vector<16xi32>
          %select_n3A_207 = arith.select %lt3A_203, %add3A_206, %broadcast_in_dim3A_200 : vector<16xi1>, vector<16xi32>
          %broadcast_in_dim3A_208 = vector.shape_cast %select_n3A_207 : vector<16xi32> to vector<16x1xi32>
          %gather3A_209 = vector.shape_cast %broadcast_in_dim3A_208 : vector<16x1xi32> to vector<16xi32>
          %gather3A_210 = tpu.dynamic_gather %get3A_188[%gather3A_209] in [0] : vector<16xf32>, vector<16xi32> -> vector<16xf32>
          %sub3A_211 = arith.subf %gather3A_210, %get3A_198 : vector<16xf32>
          %mul3A_212 = arith.mulf %sub3A_211, %sub3A_211 : vector<16xf32>
          %add3A_213 = arith.addf %scan3A_183, %mul3A_212 : vector<16xf32>
          %mul3A_214 = arith.constant 16 : i32
          %mul3A_215 = arith.muli %scan3A_182, %mul3A_214 : i32
          %add3A_216 = arith.constant 1 : i32
          %add3A_217 = arith.addi %mul3A_215, %add3A_216 : i32
          %mul3A_218 = arith.constant 16 : i32
          %mul3A_219 = arith.muli %scan3A_85, %mul3A_218 : i32
          %get3A_220 = arith.index_cast %add3A_217 : i32 to index
          %get3A_221 = arith.index_cast %mul3A_219 : i32 to index
          %get3A_222 = tpu.vector_load %arg6[%get3A_220, %get3A_221] {strides = array<i32>} : memref<128x144xf32, #tpu.memory_space<vmem>>, vector<1x16xf32>,
          %get3A_223 = vector.shape_cast %get3A_222 : vector<1x16xf32> to vector<16xf32>
          %broadcast_in_dim3A_224 = arith.constant 1 : i32
          %broadcast_in_dim3A_225 = vector.broadcast %broadcast_in_dim3A_224 : i32 to vector<16xi32>
          %lt3A_226 = arith.constant 0 : i32
          %lt3A_227 = vector.broadcast %lt3A_226 : i32 to vector<16xi32>
          %lt3A_228 = arith.cmpi slt, %broadcast_in_dim3A_225, %lt3A_227 : vector<16xi32>
          %add3A_229 = arith.constant 16 : i32
          %add3A_230 = vector.broadcast %add3A_229 : i32 to vector<16xi32>
          %add3A_231 = arith.addi %broadcast_in_dim3A_225, %add3A_230 : vector<16xi32>
          %select_n3A_232 = arith.select %lt3A_228, %add3A_231, %broadcast_in_dim3A_225 : vector<16xi1>, vector<16xi32>
          %broadcast_in_dim3A_233 = vector.shape_cast %select_n3A_232 : vector<16xi32> to vector<16x1xi32>
          %gather3A_234 = vector.shape_cast %broadcast_in_dim3A_233 : vector<16x1xi32> to vector<16xi32>
          %gather3A_235 = tpu.dynamic_gather %get3A_188[%gather3A_234] in [0] : vector<16xf32>, vector<16xi32> -> vector<16xf32>
          %sub3A_236 = arith.subf %gather3A_235, %get3A_223 : vector<16xf32>
          %mul3A_237 = arith.mulf %sub3A_236, %sub3A_236 : vector<16xf32>
          %add3A_238 = arith.addf %add3A_213, %mul3A_237 : vector<16xf32>
          %mul3A_239 = arith.constant 16 : i32
          %mul3A_240 = arith.muli %scan3A_182, %mul3A_239 : i32
          %add3A_241 = arith.constant 2 : i32
          %add3A_242 = arith.addi %mul3A_240, %add3A_241 : i32
          %mul3A_243 = arith.constant 16 : i32
          %mul3A_244 = arith.muli %scan3A_85, %mul3A_243 : i32
          %get3A_245 = arith.index_cast %add3A_242 : i32 to index
          %get3A_246 = arith.index_cast %mul3A_244 : i32 to index
          %get3A_247 = tpu.vector_load %arg6[%get3A_245, %get3A_246] {strides = array<i32>} : memref<128x144xf32, #tpu.memory_space<vmem>>, vector<1x16xf32>,
          %get3A_248 = vector.shape_cast %get3A_247 : vector<1x16xf32> to vector<16xf32>
          %broadcast_in_dim3A_249 = arith.constant 2 : i32
          %broadcast_in_dim3A_250 = vector.broadcast %broadcast_in_dim3A_249 : i32 to vector<16xi32>
          %lt3A_251 = arith.constant 0 : i32
          %lt3A_252 = vector.broadcast %lt3A_251 : i32 to vector<16xi32>
          %lt3A_253 = arith.cmpi slt, %broadcast_in_dim3A_250, %lt3A_252 : vector<16xi32>
          %add3A_254 = arith.constant 16 : i32
          %add3A_255 = vector.broadcast %add3A_254 : i32 to vector<16xi32>
          %add3A_256 = arith.addi %broadcast_in_dim3A_250, %add3A_255 : vector<16xi32>
          %select_n3A_257 = arith.select %lt3A_253, %add3A_256, %broadcast_in_dim3A_250 : vector<16xi1>, vector<16xi32>
          %broadcast_in_dim3A_258 = vector.shape_cast %select_n3A_257 : vector<16xi32> to vector<16x1xi32>
          %gather3A_259 = vector.shape_cast %broadcast_in_dim3A_258 : vector<16x1xi32> to vector<16xi32>
          %gather3A_260 = tpu.dynamic_gather %get3A_188[%gather3A_259] in [0] : vector<16xf32>, vector<16xi32> -> vector<16xf32>
          %sub3A_261 = arith.subf %gather3A_260, %get3A_248 : vector<16xf32>
          %mul3A_262 = arith.mulf %sub3A_261, %sub3A_261 : vector<16xf32>
          %add3A_263 = arith.addf %add3A_238, %mul3A_262 : vector<16xf32>
          %mul3A_264 = arith.constant 16 : i32
          %mul3A_265 = arith.muli %scan3A_182, %mul3A_264 : i32
          %add3A_266 = arith.constant 3 : i32
          %add3A_267 = arith.addi %mul3A_265, %add3A_266 : i32
          %mul3A_268 = arith.constant 16 : i32
          %mul3A_269 = arith.muli %scan3A_85, %mul3A_268 : i32
          %get3A_270 = arith.index_cast %add3A_267 : i32 to index
          %get3A_271 = arith.index_cast %mul3A_269 : i32 to index
          %get3A_272 = tpu.vector_load %arg6[%get3A_270, %get3A_271] {strides = array<i32>} : memref<128x144xf32, #tpu.memory_space<vmem>>, vector<1x16xf32>,
          %get3A_273 = vector.shape_cast %get3A_272 : vector<1x16xf32> to vector<16xf32>
          %broadcast_in_dim3A_274 = arith.constant 3 : i32
          %broadcast_in_dim3A_275 = vector.broadcast %broadcast_in_dim3A_274 : i32 to vector<16xi32>
          %lt3A_276 = arith.constant 0 : i32
          %lt3A_277 = vector.broadcast %lt3A_276 : i32 to vector<16xi32>
          %lt3A_278 = arith.cmpi slt, %broadcast_in_dim3A_275, %lt3A_277 : vector<16xi32>
          %add3A_279 = arith.constant 16 : i32
          %add3A_280 = vector.broadcast %add3A_279 : i32 to vector<16xi32>
          %add3A_281 = arith.addi %broadcast_in_dim3A_275, %add3A_280 : vector<16xi32>
          %select_n3A_282 = arith.select %lt3A_278, %add3A_281, %broadcast_in_dim3A_275 : vector<16xi1>, vector<16xi32>
          %broadcast_in_dim3A_283 = vector.shape_cast %select_n3A_282 : vector<16xi32> to vector<16x1xi32>
          %gather3A_284 = vector.shape_cast %broadcast_in_dim3A_283 : vector<16x1xi32> to vector<16xi32>
          %gather3A_285 = tpu.dynamic_gather %get3A_188[%gather3A_284] in [0] : vector<16xf32>, vector<16xi32> -> vector<16xf32>
          %sub3A_286 = arith.subf %gather3A_285, %get3A_273 : vector<16xf32>
          %mul3A_287 = arith.mulf %sub3A_286, %sub3A_286 : vector<16xf32>
          %add3A_288 = arith.addf %add3A_263, %mul3A_287 : vector<16xf32>
          %mul3A_289 = arith.constant 16 : i32
          %mul3A_290 = arith.muli %scan3A_182, %mul3A_289 : i32
          %add3A_291 = arith.constant 4 : i32
          %add3A_292 = arith.addi %mul3A_290, %add3A_291 : i32
          %mul3A_293 = arith.constant 16 : i32
          %mul3A_294 = arith.muli %scan3A_85, %mul3A_293 : i32
          %get3A_295 = arith.index_cast %add3A_292 : i32 to index
          %get3A_296 = arith.index_cast %mul3A_294 : i32 to index
          %get3A_297 = tpu.vector_load %arg6[%get3A_295, %get3A_296] {strides = array<i32>} : memref<128x144xf32, #tpu.memory_space<vmem>>, vector<1x16xf32>,
          %get3A_298 = vector.shape_cast %get3A_297 : vector<1x16xf32> to vector<16xf32>
          %broadcast_in_dim3A_299 = arith.constant 4 : i32
          %broadcast_in_dim3A_300 = vector.broadcast %broadcast_in_dim3A_299 : i32 to vector<16xi32>
          %lt3A_301 = arith.constant 0 : i32
          %lt3A_302 = vector.broadcast %lt3A_301 : i32 to vector<16xi32>
          %lt3A_303 = arith.cmpi slt, %broadcast_in_dim3A_300, %lt3A_302 : vector<16xi32>
          %add3A_304 = arith.constant 16 : i32
          %add3A_305 = vector.broadcast %add3A_304 : i32 to vector<16xi32>
          %add3A_306 = arith.addi %broadcast_in_dim3A_300, %add3A_305 : vector<16xi32>
          %select_n3A_307 = arith.select %lt3A_303, %add3A_306, %broadcast_in_dim3A_300 : vector<16xi1>, vector<16xi32>
          %broadcast_in_dim3A_308 = vector.shape_cast %select_n3A_307 : vector<16xi32> to vector<16x1xi32>
          %gather3A_309 = vector.shape_cast %broadcast_in_dim3A_308 : vector<16x1xi32> to vector<16xi32>
          %gather3A_310 = tpu.dynamic_gather %get3A_188[%gather3A_309] in [0] : vector<16xf32>, vector<16xi32> -> vector<16xf32>
          %sub3A_311 = arith.subf %gather3A_310, %get3A_298 : vector<16xf32>
          %mul3A_312 = arith.mulf %sub3A_311, %sub3A_311 : vector<16xf32>
          %add3A_313 = arith.addf %add3A_288, %mul3A_312 : vector<16xf32>
          %mul3A_314 = arith.constant 16 : i32
          %mul3A_315 = arith.muli %scan3A_182, %mul3A_314 : i32
          %add3A_316 = arith.constant 5 : i32
          %add3A_317 = arith.addi %mul3A_315, %add3A_316 : i32
          %mul3A_318 = arith.constant 16 : i32
          %mul3A_319 = arith.muli %scan3A_85, %mul3A_318 : i32
          %get3A_320 = arith.index_cast %add3A_317 : i32 to index
          %get3A_321 = arith.index_cast %mul3A_319 : i32 to index
          %get3A_322 = tpu.vector_load %arg6[%get3A_320, %get3A_321] {strides = array<i32>} : memref<128x144xf32, #tpu.memory_space<vmem>>, vector<1x16xf32>,
          %get3A_323 = vector.shape_cast %get3A_322 : vector<1x16xf32> to vector<16xf32>
          %broadcast_in_dim3A_324 = arith.constant 5 : i32
          %broadcast_in_dim3A_325 = vector.broadcast %broadcast_in_dim3A_324 : i32 to vector<16xi32>
          %lt3A_326 = arith.constant 0 : i32
          %lt3A_327 = vector.broadcast %lt3A_326 : i32 to vector<16xi32>
          %lt3A_328 = arith.cmpi slt, %broadcast_in_dim3A_325, %lt3A_327 : vector<16xi32>
          %add3A_329 = arith.constant 16 : i32
          %add3A_330 = vector.broadcast %add3A_329 : i32 to vector<16xi32>
          %add3A_331 = arith.addi %broadcast_in_dim3A_325, %add3A_330 : vector<16xi32>
          %select_n3A_332 = arith.select %lt3A_328, %add3A_331, %broadcast_in_dim3A_325 : vector<16xi1>, vector<16xi32>
          %broadcast_in_dim3A_333 = vector.shape_cast %select_n3A_332 : vector<16xi32> to vector<16x1xi32>
          %gather3A_334 = vector.shape_cast %broadcast_in_dim3A_333 : vector<16x1xi32> to vector<16xi32>
          %gather3A_335 = tpu.dynamic_gather %get3A_188[%gather3A_334] in [0] : vector<16xf32>, vector<16xi32> -> vector<16xf32>
          %sub3A_336 = arith.subf %gather3A_335, %get3A_323 : vector<16xf32>
          %mul3A_337 = arith.mulf %sub3A_336, %sub3A_336 : vector<16xf32>
          %add3A_338 = arith.addf %add3A_313, %mul3A_337 : vector<16xf32>
          %mul3A_339 = arith.constant 16 : i32
          %mul3A_340 = arith.muli %scan3A_182, %mul3A_339 : i32
          %add3A_341 = arith.constant 6 : i32
          %add3A_342 = arith.addi %mul3A_340, %add3A_341 : i32
          %mul3A_343 = arith.constant 16 : i32
          %mul3A_344 = arith.muli %scan3A_85, %mul3A_343 : i32
          %get3A_345 = arith.index_cast %add3A_342 : i32 to index
          %get3A_346 = arith.index_cast %mul3A_344 : i32 to index
          %get3A_347 = tpu.vector_load %arg6[%get3A_345, %get3A_346] {strides = array<i32>} : memref<128x144xf32, #tpu.memory_space<vmem>>, vector<1x16xf32>,
          %get3A_348 = vector.shape_cast %get3A_347 : vector<1x16xf32> to vector<16xf32>
          %broadcast_in_dim3A_349 = arith.constant 6 : i32
          %broadcast_in_dim3A_350 = vector.broadcast %broadcast_in_dim3A_349 : i32 to vector<16xi32>
          %lt3A_351 = arith.constant 0 : i32
          %lt3A_352 = vector.broadcast %lt3A_351 : i32 to vector<16xi32>
          %lt3A_353 = arith.cmpi slt, %broadcast_in_dim3A_350, %lt3A_352 : vector<16xi32>
          %add3A_354 = arith.constant 16 : i32
          %add3A_355 = vector.broadcast %add3A_354 : i32 to vector<16xi32>
          %add3A_356 = arith.addi %broadcast_in_dim3A_350, %add3A_355 : vector<16xi32>
          %select_n3A_357 = arith.select %lt3A_353, %add3A_356, %broadcast_in_dim3A_350 : vector<16xi1>, vector<16xi32>
          %broadcast_in_dim3A_358 = vector.shape_cast %select_n3A_357 : vector<16xi32> to vector<16x1xi32>
          %gather3A_359 = vector.shape_cast %broadcast_in_dim3A_358 : vector<16x1xi32> to vector<16xi32>
          %gather3A_360 = tpu.dynamic_gather %get3A_188[%gather3A_359] in [0] : vector<16xf32>, vector<16xi32> -> vector<16xf32>
          %sub3A_361 = arith.subf %gather3A_360, %get3A_348 : vector<16xf32>
          %mul3A_362 = arith.mulf %sub3A_361, %sub3A_361 : vector<16xf32>
          %add3A_363 = arith.addf %add3A_338, %mul3A_362 : vector<16xf32>
          %mul3A_364 = arith.constant 16 : i32
          %mul3A_365 = arith.muli %scan3A_182, %mul3A_364 : i32
          %add3A_366 = arith.constant 7 : i32
          %add3A_367 = arith.addi %mul3A_365, %add3A_366 : i32
          %mul3A_368 = arith.constant 16 : i32
          %mul3A_369 = arith.muli %scan3A_85, %mul3A_368 : i32
          %get3A_370 = arith.index_cast %add3A_367 : i32 to index
          %get3A_371 = arith.index_cast %mul3A_369 : i32 to index
          %get3A_372 = tpu.vector_load %arg6[%get3A_370, %get3A_371] {strides = array<i32>} : memref<128x144xf32, #tpu.memory_space<vmem>>, vector<1x16xf32>,
          %get3A_373 = vector.shape_cast %get3A_372 : vector<1x16xf32> to vector<16xf32>
          %broadcast_in_dim3A_374 = arith.constant 7 : i32
          %broadcast_in_dim3A_375 = vector.broadcast %broadcast_in_dim3A_374 : i32 to vector<16xi32>
          %lt3A_376 = arith.constant 0 : i32
          %lt3A_377 = vector.broadcast %lt3A_376 : i32 to vector<16xi32>
          %lt3A_378 = arith.cmpi slt, %broadcast_in_dim3A_375, %lt3A_377 : vector<16xi32>
          %add3A_379 = arith.constant 16 : i32
          %add3A_380 = vector.broadcast %add3A_379 : i32 to vector<16xi32>
          %add3A_381 = arith.addi %broadcast_in_dim3A_375, %add3A_380 : vector<16xi32>
          %select_n3A_382 = arith.select %lt3A_378, %add3A_381, %broadcast_in_dim3A_375 : vector<16xi1>, vector<16xi32>
          %broadcast_in_dim3A_383 = vector.shape_cast %select_n3A_382 : vector<16xi32> to vector<16x1xi32>
          %gather3A_384 = vector.shape_cast %broadcast_in_dim3A_383 : vector<16x1xi32> to vector<16xi32>
          %gather3A_385 = tpu.dynamic_gather %get3A_188[%gather3A_384] in [0] : vector<16xf32>, vector<16xi32> -> vector<16xf32>
          %sub3A_386 = arith.subf %gather3A_385, %get3A_373 : vector<16xf32>
          %mul3A_387 = arith.mulf %sub3A_386, %sub3A_386 : vector<16xf32>
          %add3A_388 = arith.addf %add3A_363, %mul3A_387 : vector<16xf32>
          %mul3A_389 = arith.constant 16 : i32
          %mul3A_390 = arith.muli %scan3A_182, %mul3A_389 : i32
          %add3A_391 = arith.constant 8 : i32
          %add3A_392 = arith.addi %mul3A_390, %add3A_391 : i32
          %mul3A_393 = arith.constant 16 : i32
          %mul3A_394 = arith.muli %scan3A_85, %mul3A_393 : i32
          %get3A_395 = arith.index_cast %add3A_392 : i32 to index
          %get3A_396 = arith.index_cast %mul3A_394 : i32 to index
          %get3A_397 = tpu.vector_load %arg6[%get3A_395, %get3A_396] {strides = array<i32>} : memref<128x144xf32, #tpu.memory_space<vmem>>, vector<1x16xf32>,
          %get3A_398 = vector.shape_cast %get3A_397 : vector<1x16xf32> to vector<16xf32>
          %broadcast_in_dim3A_399 = arith.constant 8 : i32
          %broadcast_in_dim3A_400 = vector.broadcast %broadcast_in_dim3A_399 : i32 to vector<16xi32>
          %lt3A_401 = arith.constant 0 : i32
          %lt3A_402 = vector.broadcast %lt3A_401 : i32 to vector<16xi32>
          %lt3A_403 = arith.cmpi slt, %broadcast_in_dim3A_400, %lt3A_402 : vector<16xi32>
          %add3A_404 = arith.constant 16 : i32
          %add3A_405 = vector.broadcast %add3A_404 : i32 to vector<16xi32>
          %add3A_406 = arith.addi %broadcast_in_dim3A_400, %add3A_405 : vector<16xi32>
          %select_n3A_407 = arith.select %lt3A_403, %add3A_406, %broadcast_in_dim3A_400 : vector<16xi1>, vector<16xi32>
          %broadcast_in_dim3A_408 = vector.shape_cast %select_n3A_407 : vector<16xi32> to vector<16x1xi32>
          %gather3A_409 = vector.shape_cast %broadcast_in_dim3A_408 : vector<16x1xi32> to vector<16xi32>
          %gather3A_410 = tpu.dynamic_gather %get3A_188[%gather3A_409] in [0] : vector<16xf32>, vector<16xi32> -> vector<16xf32>
          %sub3A_411 = arith.subf %gather3A_410, %get3A_398 : vector<16xf32>
          %mul3A_412 = arith.mulf %sub3A_411, %sub3A_411 : vector<16xf32>
          %add3A_413 = arith.addf %add3A_388, %mul3A_412 : vector<16xf32>
          %mul3A_414 = arith.constant 16 : i32
          %mul3A_415 = arith.muli %scan3A_182, %mul3A_414 : i32
          %add3A_416 = arith.constant 9 : i32
          %add3A_417 = arith.addi %mul3A_415, %add3A_416 : i32
          %mul3A_418 = arith.constant 16 : i32
          %mul3A_419 = arith.muli %scan3A_85, %mul3A_418 : i32
          %get3A_420 = arith.index_cast %add3A_417 : i32 to index
          %get3A_421 = arith.index_cast %mul3A_419 : i32 to index
          %get3A_422 = tpu.vector_load %arg6[%get3A_420, %get3A_421] {strides = array<i32>} : memref<128x144xf32, #tpu.memory_space<vmem>>, vector<1x16xf32>,
          %get3A_423 = vector.shape_cast %get3A_422 : vector<1x16xf32> to vector<16xf32>
          %broadcast_in_dim3A_424 = arith.constant 9 : i32
          %broadcast_in_dim3A_425 = vector.broadcast %broadcast_in_dim3A_424 : i32 to vector<16xi32>
          %lt3A_426 = arith.constant 0 : i32
          %lt3A_427 = vector.broadcast %lt3A_426 : i32 to vector<16xi32>
          %lt3A_428 = arith.cmpi slt, %broadcast_in_dim3A_425, %lt3A_427 : vector<16xi32>
          %add3A_429 = arith.constant 16 : i32
          %add3A_430 = vector.broadcast %add3A_429 : i32 to vector<16xi32>
          %add3A_431 = arith.addi %broadcast_in_dim3A_425, %add3A_430 : vector<16xi32>
          %select_n3A_432 = arith.select %lt3A_428, %add3A_431, %broadcast_in_dim3A_425 : vector<16xi1>, vector<16xi32>
          %broadcast_in_dim3A_433 = vector.shape_cast %select_n3A_432 : vector<16xi32> to vector<16x1xi32>
          %gather3A_434 = vector.shape_cast %broadcast_in_dim3A_433 : vector<16x1xi32> to vector<16xi32>
          %gather3A_435 = tpu.dynamic_gather %get3A_188[%gather3A_434] in [0] : vector<16xf32>, vector<16xi32> -> vector<16xf32>
          %sub3A_436 = arith.subf %gather3A_435, %get3A_423 : vector<16xf32>
          %mul3A_437 = arith.mulf %sub3A_436, %sub3A_436 : vector<16xf32>
          %add3A_438 = arith.addf %add3A_413, %mul3A_437 : vector<16xf32>
          %mul3A_439 = arith.constant 16 : i32
          %mul3A_440 = arith.muli %scan3A_182, %mul3A_439 : i32
          %add3A_441 = arith.constant 10 : i32
          %add3A_442 = arith.addi %mul3A_440, %add3A_441 : i32
          %mul3A_443 = arith.constant 16 : i32
          %mul3A_444 = arith.muli %scan3A_85, %mul3A_443 : i32
          %get3A_445 = arith.index_cast %add3A_442 : i32 to index
          %get3A_446 = arith.index_cast %mul3A_444 : i32 to index
          %get3A_447 = tpu.vector_load %arg6[%get3A_445, %get3A_446] {strides = array<i32>} : memref<128x144xf32, #tpu.memory_space<vmem>>, vector<1x16xf32>,
          %get3A_448 = vector.shape_cast %get3A_447 : vector<1x16xf32> to vector<16xf32>
          %broadcast_in_dim3A_449 = arith.constant 10 : i32
          %broadcast_in_dim3A_450 = vector.broadcast %broadcast_in_dim3A_449 : i32 to vector<16xi32>
          %lt3A_451 = arith.constant 0 : i32
          %lt3A_452 = vector.broadcast %lt3A_451 : i32 to vector<16xi32>
          %lt3A_453 = arith.cmpi slt, %broadcast_in_dim3A_450, %lt3A_452 : vector<16xi32>
          %add3A_454 = arith.constant 16 : i32
          %add3A_455 = vector.broadcast %add3A_454 : i32 to vector<16xi32>
          %add3A_456 = arith.addi %broadcast_in_dim3A_450, %add3A_455 : vector<16xi32>
          %select_n3A_457 = arith.select %lt3A_453, %add3A_456, %broadcast_in_dim3A_450 : vector<16xi1>, vector<16xi32>
          %broadcast_in_dim3A_458 = vector.shape_cast %select_n3A_457 : vector<16xi32> to vector<16x1xi32>
          %gather3A_459 = vector.shape_cast %broadcast_in_dim3A_458 : vector<16x1xi32> to vector<16xi32>
          %gather3A_460 = tpu.dynamic_gather %get3A_188[%gather3A_459] in [0] : vector<16xf32>, vector<16xi32> -> vector<16xf32>
          %sub3A_461 = arith.subf %gather3A_460, %get3A_448 : vector<16xf32>
          %mul3A_462 = arith.mulf %sub3A_461, %sub3A_461 : vector<16xf32>
          %add3A_463 = arith.addf %add3A_438, %mul3A_462 : vector<16xf32>
          %mul3A_464 = arith.constant 16 : i32
          %mul3A_465 = arith.muli %scan3A_182, %mul3A_464 : i32
          %add3A_466 = arith.constant 11 : i32
          %add3A_467 = arith.addi %mul3A_465, %add3A_466 : i32
          %mul3A_468 = arith.constant 16 : i32
          %mul3A_469 = arith.muli %scan3A_85, %mul3A_468 : i32
          %get3A_470 = arith.index_cast %add3A_467 : i32 to index
          %get3A_471 = arith.index_cast %mul3A_469 : i32 to index
          %get3A_472 = tpu.vector_load %arg6[%get3A_470, %get3A_471] {strides = array<i32>} : memref<128x144xf32, #tpu.memory_space<vmem>>, vector<1x16xf32>,
          %get3A_473 = vector.shape_cast %get3A_472 : vector<1x16xf32> to vector<16xf32>
          %broadcast_in_dim3A_474 = arith.constant 11 : i32
          %broadcast_in_dim3A_475 = vector.broadcast %broadcast_in_dim3A_474 : i32 to vector<16xi32>
          %lt3A_476 = arith.constant 0 : i32
          %lt3A_477 = vector.broadcast %lt3A_476 : i32 to vector<16xi32>
          %lt3A_478 = arith.cmpi slt, %broadcast_in_dim3A_475, %lt3A_477 : vector<16xi32>
          %add3A_479 = arith.constant 16 : i32
          %add3A_480 = vector.broadcast %add3A_479 : i32 to vector<16xi32>
          %add3A_481 = arith.addi %broadcast_in_dim3A_475, %add3A_480 : vector<16xi32>
          %select_n3A_482 = arith.select %lt3A_478, %add3A_481, %broadcast_in_dim3A_475 : vector<16xi1>, vector<16xi32>
          %broadcast_in_dim3A_483 = vector.shape_cast %select_n3A_482 : vector<16xi32> to vector<16x1xi32>
          %gather3A_484 = vector.shape_cast %broadcast_in_dim3A_483 : vector<16x1xi32> to vector<16xi32>
          %gather3A_485 = tpu.dynamic_gather %get3A_188[%gather3A_484] in [0] : vector<16xf32>, vector<16xi32> -> vector<16xf32>
          %sub3A_486 = arith.subf %gather3A_485, %get3A_473 : vector<16xf32>
          %mul3A_487 = arith.mulf %sub3A_486, %sub3A_486 : vector<16xf32>
          %add3A_488 = arith.addf %add3A_463, %mul3A_487 : vector<16xf32>
          %mul3A_489 = arith.constant 16 : i32
          %mul3A_490 = arith.muli %scan3A_182, %mul3A_489 : i32
          %add3A_491 = arith.constant 12 : i32
          %add3A_492 = arith.addi %mul3A_490, %add3A_491 : i32
          %mul3A_493 = arith.constant 16 : i32
          %mul3A_494 = arith.muli %scan3A_85, %mul3A_493 : i32
          %get3A_495 = arith.index_cast %add3A_492 : i32 to index
          %get3A_496 = arith.index_cast %mul3A_494 : i32 to index
          %get3A_497 = tpu.vector_load %arg6[%get3A_495, %get3A_496] {strides = array<i32>} : memref<128x144xf32, #tpu.memory_space<vmem>>, vector<1x16xf32>,
          %get3A_498 = vector.shape_cast %get3A_497 : vector<1x16xf32> to vector<16xf32>
          %broadcast_in_dim3A_499 = arith.constant 12 : i32
          %broadcast_in_dim3A_500 = vector.broadcast %broadcast_in_dim3A_499 : i32 to vector<16xi32>
          %lt3A_501 = arith.constant 0 : i32
          %lt3A_502 = vector.broadcast %lt3A_501 : i32 to vector<16xi32>
          %lt3A_503 = arith.cmpi slt, %broadcast_in_dim3A_500, %lt3A_502 : vector<16xi32>
          %add3A_504 = arith.constant 16 : i32
          %add3A_505 = vector.broadcast %add3A_504 : i32 to vector<16xi32>
          %add3A_506 = arith.addi %broadcast_in_dim3A_500, %add3A_505 : vector<16xi32>
          %select_n3A_507 = arith.select %lt3A_503, %add3A_506, %broadcast_in_dim3A_500 : vector<16xi1>, vector<16xi32>
          %broadcast_in_dim3A_508 = vector.shape_cast %select_n3A_507 : vector<16xi32> to vector<16x1xi32>
          %gather3A_509 = vector.shape_cast %broadcast_in_dim3A_508 : vector<16x1xi32> to vector<16xi32>
          %gather3A_510 = tpu.dynamic_gather %get3A_188[%gather3A_509] in [0] : vector<16xf32>, vector<16xi32> -> vector<16xf32>
          %sub3A_511 = arith.subf %gather3A_510, %get3A_498 : vector<16xf32>
          %mul3A_512 = arith.mulf %sub3A_511, %sub3A_511 : vector<16xf32>
          %add3A_513 = arith.addf %add3A_488, %mul3A_512 : vector<16xf32>
          %mul3A_514 = arith.constant 16 : i32
          %mul3A_515 = arith.muli %scan3A_182, %mul3A_514 : i32
          %add3A_516 = arith.constant 13 : i32
          %add3A_517 = arith.addi %mul3A_515, %add3A_516 : i32
          %mul3A_518 = arith.constant 16 : i32
          %mul3A_519 = arith.muli %scan3A_85, %mul3A_518 : i32
          %get3A_520 = arith.index_cast %add3A_517 : i32 to index
          %get3A_521 = arith.index_cast %mul3A_519 : i32 to index
          %get3A_522 = tpu.vector_load %arg6[%get3A_520, %get3A_521] {strides = array<i32>} : memref<128x144xf32, #tpu.memory_space<vmem>>, vector<1x16xf32>,
          %get3A_523 = vector.shape_cast %get3A_522 : vector<1x16xf32> to vector<16xf32>
          %broadcast_in_dim3A_524 = arith.constant 13 : i32
          %broadcast_in_dim3A_525 = vector.broadcast %broadcast_in_dim3A_524 : i32 to vector<16xi32>
          %lt3A_526 = arith.constant 0 : i32
          %lt3A_527 = vector.broadcast %lt3A_526 : i32 to vector<16xi32>
          %lt3A_528 = arith.cmpi slt, %broadcast_in_dim3A_525, %lt3A_527 : vector<16xi32>
          %add3A_529 = arith.constant 16 : i32
          %add3A_530 = vector.broadcast %add3A_529 : i32 to vector<16xi32>
          %add3A_531 = arith.addi %broadcast_in_dim3A_525, %add3A_530 : vector<16xi32>
          %select_n3A_532 = arith.select %lt3A_528, %add3A_531, %broadcast_in_dim3A_525 : vector<16xi1>, vector<16xi32>
          %broadcast_in_dim3A_533 = vector.shape_cast %select_n3A_532 : vector<16xi32> to vector<16x1xi32>
          %gather3A_534 = vector.shape_cast %broadcast_in_dim3A_533 : vector<16x1xi32> to vector<16xi32>
          %gather3A_535 = tpu.dynamic_gather %get3A_188[%gather3A_534] in [0] : vector<16xf32>, vector<16xi32> -> vector<16xf32>
          %sub3A_536 = arith.subf %gather3A_535, %get3A_523 : vector<16xf32>
          %mul3A_537 = arith.mulf %sub3A_536, %sub3A_536 : vector<16xf32>
          %add3A_538 = arith.addf %add3A_513, %mul3A_537 : vector<16xf32>
          %mul3A_539 = arith.constant 16 : i32
          %mul3A_540 = arith.muli %scan3A_182, %mul3A_539 : i32
          %add3A_541 = arith.constant 14 : i32
          %add3A_542 = arith.addi %mul3A_540, %add3A_541 : i32
          %mul3A_543 = arith.constant 16 : i32
          %mul3A_544 = arith.muli %scan3A_85, %mul3A_543 : i32
          %get3A_545 = arith.index_cast %add3A_542 : i32 to index
          %get3A_546 = arith.index_cast %mul3A_544 : i32 to index
          %get3A_547 = tpu.vector_load %arg6[%get3A_545, %get3A_546] {strides = array<i32>} : memref<128x144xf32, #tpu.memory_space<vmem>>, vector<1x16xf32>,
          %get3A_548 = vector.shape_cast %get3A_547 : vector<1x16xf32> to vector<16xf32>
          %broadcast_in_dim3A_549 = arith.constant 14 : i32
          %broadcast_in_dim3A_550 = vector.broadcast %broadcast_in_dim3A_549 : i32 to vector<16xi32>
          %lt3A_551 = arith.constant 0 : i32
          %lt3A_552 = vector.broadcast %lt3A_551 : i32 to vector<16xi32>
          %lt3A_553 = arith.cmpi slt, %broadcast_in_dim3A_550, %lt3A_552 : vector<16xi32>
          %add3A_554 = arith.constant 16 : i32
          %add3A_555 = vector.broadcast %add3A_554 : i32 to vector<16xi32>
          %add3A_556 = arith.addi %broadcast_in_dim3A_550, %add3A_555 : vector<16xi32>
          %select_n3A_557 = arith.select %lt3A_553, %add3A_556, %broadcast_in_dim3A_550 : vector<16xi1>, vector<16xi32>
          %broadcast_in_dim3A_558 = vector.shape_cast %select_n3A_557 : vector<16xi32> to vector<16x1xi32>
          %gather3A_559 = vector.shape_cast %broadcast_in_dim3A_558 : vector<16x1xi32> to vector<16xi32>
          %gather3A_560 = tpu.dynamic_gather %get3A_188[%gather3A_559] in [0] : vector<16xf32>, vector<16xi32> -> vector<16xf32>
          %sub3A_561 = arith.subf %gather3A_560, %get3A_548 : vector<16xf32>
          %mul3A_562 = arith.mulf %sub3A_561, %sub3A_561 : vector<16xf32>
          %add3A_563 = arith.addf %add3A_538, %mul3A_562 : vector<16xf32>
          %mul3A_564 = arith.constant 16 : i32
          %mul3A_565 = arith.muli %scan3A_182, %mul3A_564 : i32
          %add3A_566 = arith.constant 15 : i32
          %add3A_567 = arith.addi %mul3A_565, %add3A_566 : i32
          %mul3A_568 = arith.constant 16 : i32
          %mul3A_569 = arith.muli %scan3A_85, %mul3A_568 : i32
          %get3A_570 = arith.index_cast %add3A_567 : i32 to index
          %get3A_571 = arith.index_cast %mul3A_569 : i32 to index
          %get3A_572 = tpu.vector_load %arg6[%get3A_570, %get3A_571] {strides = array<i32>} : memref<128x144xf32, #tpu.memory_space<vmem>>, vector<1x16xf32>,
          %get3A_573 = vector.shape_cast %get3A_572 : vector<1x16xf32> to vector<16xf32>
          %broadcast_in_dim3A_574 = arith.constant 15 : i32
          %broadcast_in_dim3A_575 = vector.broadcast %broadcast_in_dim3A_574 : i32 to vector<16xi32>
          %lt3A_576 = arith.constant 0 : i32
          %lt3A_577 = vector.broadcast %lt3A_576 : i32 to vector<16xi32>
          %lt3A_578 = arith.cmpi slt, %broadcast_in_dim3A_575, %lt3A_577 : vector<16xi32>
          %add3A_579 = arith.constant 16 : i32
          %add3A_580 = vector.broadcast %add3A_579 : i32 to vector<16xi32>
          %add3A_581 = arith.addi %broadcast_in_dim3A_575, %add3A_580 : vector<16xi32>
          %select_n3A_582 = arith.select %lt3A_578, %add3A_581, %broadcast_in_dim3A_575 : vector<16xi1>, vector<16xi32>
          %broadcast_in_dim3A_583 = vector.shape_cast %select_n3A_582 : vector<16xi32> to vector<16x1xi32>
          %gather3A_584 = vector.shape_cast %broadcast_in_dim3A_583 : vector<16x1xi32> to vector<16xi32>
          %gather3A_585 = tpu.dynamic_gather %get3A_188[%gather3A_584] in [0] : vector<16xf32>, vector<16xi32> -> vector<16xf32>
          %sub3A_586 = arith.subf %gather3A_585, %get3A_573 : vector<16xf32>
          %mul3A_587 = arith.mulf %sub3A_586, %sub3A_586 : vector<16xf32>
          %add3A_588 = arith.addf %add3A_563, %mul3A_587 : vector<16xf32>
          scf.yield %add3A_588 : vector<16xf32>
        }
        %scan3A_94 = arith.constant 8 : i32
        %mul3A_95 = arith.constant 16 : i32
        %mul3A_96 = arith.muli %scan3A_85, %mul3A_95 : i32
        %add3A_97 = vector.broadcast %mul3A_96 : i32 to vector<16xi32>
        %add3A_98 = arith.addi %add3A_97, %iota3A : vector<16xi32>
        %eq3A_99 = vector.broadcast %min3A_18 : i32 to vector<16xi32>
        %eq3A_100 = arith.cmpi eq, %add3A_98, %eq3A_99 : vector<16xi32>
        %ge3A = arith.constant 133 : i32
        %ge3A_101 = vector.broadcast %ge3A : i32 to vector<16xi32>
        %ge3A_102 = arith.cmpi sge, %add3A_98, %ge3A_101 : vector<16xi32>
        %or3A = arith.ori %eq3A_100, %ge3A_102 : vector<16xi1>
        %jit3A_103 = arith.constant 1.000000e+30 : f32
        %broadcast_in_dim3A_104 = vector.broadcast %jit3A_103 : f32 to vector<16xf32>
        %select_n3A_105 = arith.select %or3A, %broadcast_in_dim3A_104, %scan3A_93 : vector<16xi1>, vector<16xf32>
        %min3A_106 = arith.constant 4.000000e-02 : f32
        %min3A_107 = vector.broadcast %min3A_106 : f32 to vector<16xf32>
        %min3A_108 = arith.minimumf %select_n3A_105, %min3A_107 : vector<16xf32>
        %broadcast_in_dim3A_109 = arith.constant 1.000000e-01 : f32
        %broadcast_in_dim3A_110 = vector.broadcast %broadcast_in_dim3A_109 : f32 to vector<16xf32>
        %div3A = arith.divf %min3A_108, %broadcast_in_dim3A_110 : vector<16xf32>
        %add3A_111 = arith.addf %broadcast_in_dim3A_110, %div3A : vector<16xf32>
        %mul3A_112 = arith.constant 5.000000e-01 : f32
        %mul3A_113 = vector.broadcast %mul3A_112 : f32 to vector<16xf32>
        %mul3A_114 = arith.mulf %mul3A_113, %add3A_111 : vector<16xf32>
        %div3A_115 = arith.divf %min3A_108, %mul3A_114 : vector<16xf32>
        %add3A_116 = arith.addf %mul3A_114, %div3A_115 : vector<16xf32>
        %mul3A_117 = arith.constant 5.000000e-01 : f32
        %mul3A_118 = vector.broadcast %mul3A_117 : f32 to vector<16xf32>
        %mul3A_119 = arith.mulf %mul3A_118, %add3A_116 : vector<16xf32>
        %div3A_120 = arith.divf %min3A_108, %mul3A_119 : vector<16xf32>
        %add3A_121 = arith.addf %mul3A_119, %div3A_120 : vector<16xf32>
        %mul3A_122 = arith.constant 5.000000e-01 : f32
        %mul3A_123 = vector.broadcast %mul3A_122 : f32 to vector<16xf32>
        %mul3A_124 = arith.mulf %mul3A_123, %add3A_121 : vector<16xf32>
        %div3A_125 = arith.divf %min3A_108, %mul3A_124 : vector<16xf32>
        %add3A_126 = arith.addf %mul3A_124, %div3A_125 : vector<16xf32>
        %mul3A_127 = arith.constant 5.000000e-01 : f32
        %mul3A_128 = vector.broadcast %mul3A_127 : f32 to vector<16xf32>
        %mul3A_129 = arith.mulf %mul3A_128, %add3A_126 : vector<16xf32>
        %div3A_130 = arith.divf %min3A_108, %mul3A_129 : vector<16xf32>
        %add3A_131 = arith.addf %mul3A_129, %div3A_130 : vector<16xf32>
        %mul3A_132 = arith.constant 5.000000e-01 : f32
        %mul3A_133 = vector.broadcast %mul3A_132 : f32 to vector<16xf32>
        %mul3A_134 = arith.mulf %mul3A_133, %add3A_131 : vector<16xf32>
        %div3A_135 = arith.divf %min3A_108, %mul3A_134 : vector<16xf32>
        %add3A_136 = arith.addf %mul3A_134, %div3A_135 : vector<16xf32>
        %mul3A_137 = arith.constant 5.000000e-01 : f32
        %mul3A_138 = vector.broadcast %mul3A_137 : f32 to vector<16xf32>
        %mul3A_139 = arith.mulf %mul3A_138, %add3A_136 : vector<16xf32>
        %div3A_140 = arith.divf %min3A_108, %mul3A_139 : vector<16xf32>
        %add3A_141 = arith.addf %mul3A_139, %div3A_140 : vector<16xf32>
        %mul3A_142 = arith.constant 5.000000e-01 : f32
        %mul3A_143 = vector.broadcast %mul3A_142 : f32 to vector<16xf32>
        %mul3A_144 = arith.mulf %mul3A_143, %add3A_141 : vector<16xf32>
        %div3A_145 = arith.divf %min3A_108, %mul3A_144 : vector<16xf32>
        %add3A_146 = arith.addf %mul3A_144, %div3A_145 : vector<16xf32>
        %mul3A_147 = arith.constant 5.000000e-01 : f32
        %mul3A_148 = vector.broadcast %mul3A_147 : f32 to vector<16xf32>
        %mul3A_149 = arith.mulf %mul3A_148, %add3A_146 : vector<16xf32>
        %div3A_150 = arith.divf %min3A_108, %mul3A_149 : vector<16xf32>
        %add3A_151 = arith.addf %mul3A_149, %div3A_150 : vector<16xf32>
        %mul3A_152 = arith.constant 5.000000e-01 : f32
        %mul3A_153 = vector.broadcast %mul3A_152 : f32 to vector<16xf32>
        %mul3A_154 = arith.mulf %mul3A_153, %add3A_151 : vector<16xf32>
        %div3A_155 = arith.divf %min3A_108, %mul3A_154 : vector<16xf32>
        %add3A_156 = arith.addf %mul3A_154, %div3A_155 : vector<16xf32>
        %mul3A_157 = arith.constant 5.000000e-01 : f32
        %mul3A_158 = vector.broadcast %mul3A_157 : f32 to vector<16xf32>
        %mul3A_159 = arith.mulf %mul3A_158, %add3A_156 : vector<16xf32>
        %div3A_160 = arith.divf %min3A_108, %mul3A_159 : vector<16xf32>
        %add3A_161 = arith.addf %mul3A_159, %div3A_160 : vector<16xf32>
        %mul3A_162 = arith.constant 5.000000e-01 : f32
        %mul3A_163 = vector.broadcast %mul3A_162 : f32 to vector<16xf32>
        %mul3A_164 = arith.mulf %mul3A_163, %add3A_161 : vector<16xf32>
        %div3A_165 = arith.divf %min3A_108, %mul3A_164 : vector<16xf32>
        %add3A_166 = arith.addf %mul3A_164, %div3A_165 : vector<16xf32>
        %mul3A_167 = arith.constant 5.000000e-01 : f32
        %mul3A_168 = vector.broadcast %mul3A_167 : f32 to vector<16xf32>
        %mul3A_169 = arith.mulf %mul3A_168, %add3A_166 : vector<16xf32>
        %ge3A_170 = arith.constant 4.000000e-02 : f32
        %ge3A_171 = vector.broadcast %ge3A_170 : f32 to vector<16xf32>
        %ge3A_172 = arith.cmpf oge, %select_n3A_105, %ge3A_171 : vector<16xf32>
        %sub3A = arith.constant 2.000000e-01 : f32
        %sub3A_173 = vector.broadcast %sub3A : f32 to vector<16xf32>
        %sub3A_174 = arith.subf %sub3A_173, %mul3A_169 : vector<16xf32>
        %max3A_175 = arith.constant 0.000000e+00 : f32
        %max3A_176 = vector.broadcast %max3A_175 : f32 to vector<16xf32>
        %max3A_177 = arith.maximumf %sub3A_174, %max3A_176 : vector<16xf32>
        %jit3A_178 = arith.constant 0.000000e+00 : f32
        %broadcast_in_dim3A_179 = vector.broadcast %jit3A_178 : f32 to vector<16xf32>
        %select_n3A_180 = arith.select %ge3A_172, %broadcast_in_dim3A_179, %max3A_177 : vector<16xi1>, vector<16xf32>
        %max3A_181 = arith.maximumf %scan3A_86, %select_n3A_180 : vector<16xf32>
        scf.yield %max3A_181 : vector<16xf32>
      }
      %scan3A_26 = arith.constant 9 : i32
      %xor3A = arith.constant 1 : i32
      %xor3A_27 = vector.broadcast %xor3A : i32 to vector<16xi32>
      %xor3A_28 = arith.xori %iota3A, %xor3A_27 : vector<16xi32>
      %lt3A = arith.constant 0 : i32
      %lt3A_29 = vector.broadcast %lt3A : i32 to vector<16xi32>
      %lt3A_30 = arith.cmpi slt, %xor3A_28, %lt3A_29 : vector<16xi32>
      %add3A_31 = arith.constant 16 : i32
      %add3A_32 = vector.broadcast %add3A_31 : i32 to vector<16xi32>
      %add3A_33 = arith.addi %xor3A_28, %add3A_32 : vector<16xi32>
      %select_n3A_34 = arith.select %lt3A_30, %add3A_33, %xor3A_28 : vector<16xi1>, vector<16xi32>
      %broadcast_in_dim3A_35 = vector.shape_cast %select_n3A_34 : vector<16xi32> to vector<16x1xi32>
      %gather3A = vector.shape_cast %broadcast_in_dim3A_35 : vector<16x1xi32> to vector<16xi32>
      %gather3A_36 = tpu.dynamic_gather %scan3A_25[%gather3A] in [0] : vector<16xf32>, vector<16xi32> -> vector<16xf32>
      %max3A = arith.maximumf %scan3A_25, %gather3A_36 : vector<16xf32>
      %xor3A_37 = arith.constant 2 : i32
      %xor3A_38 = vector.broadcast %xor3A_37 : i32 to vector<16xi32>
      %xor3A_39 = arith.xori %iota3A, %xor3A_38 : vector<16xi32>
      %lt3A_40 = arith.constant 0 : i32
      %lt3A_41 = vector.broadcast %lt3A_40 : i32 to vector<16xi32>
      %lt3A_42 = arith.cmpi slt, %xor3A_39, %lt3A_41 : vector<16xi32>
      %add3A_43 = arith.constant 16 : i32
      %add3A_44 = vector.broadcast %add3A_43 : i32 to vector<16xi32>
      %add3A_45 = arith.addi %xor3A_39, %add3A_44 : vector<16xi32>
      %select_n3A_46 = arith.select %lt3A_42, %add3A_45, %xor3A_39 : vector<16xi1>, vector<16xi32>
      %broadcast_in_dim3A_47 = vector.shape_cast %select_n3A_46 : vector<16xi32> to vector<16x1xi32>
      %gather3A_48 = vector.shape_cast %broadcast_in_dim3A_47 : vector<16x1xi32> to vector<16xi32>
      %gather3A_49 = tpu.dynamic_gather %max3A[%gather3A_48] in [0] : vector<16xf32>, vector<16xi32> -> vector<16xf32>
      %max3A_50 = arith.maximumf %max3A, %gather3A_49 : vector<16xf32>
      %xor3A_51 = arith.constant 4 : i32
      %xor3A_52 = vector.broadcast %xor3A_51 : i32 to vector<16xi32>
      %xor3A_53 = arith.xori %iota3A, %xor3A_52 : vector<16xi32>
      %lt3A_54 = arith.constant 0 : i32
      %lt3A_55 = vector.broadcast %lt3A_54 : i32 to vector<16xi32>
      %lt3A_56 = arith.cmpi slt, %xor3A_53, %lt3A_55 : vector<16xi32>
      %add3A_57 = arith.constant 16 : i32
      %add3A_58 = vector.broadcast %add3A_57 : i32 to vector<16xi32>
      %add3A_59 = arith.addi %xor3A_53, %add3A_58 : vector<16xi32>
      %select_n3A_60 = arith.select %lt3A_56, %add3A_59, %xor3A_53 : vector<16xi1>, vector<16xi32>
      %broadcast_in_dim3A_61 = vector.shape_cast %select_n3A_60 : vector<16xi32> to vector<16x1xi32>
      %gather3A_62 = vector.shape_cast %broadcast_in_dim3A_61 : vector<16x1xi32> to vector<16xi32>
      %gather3A_63 = tpu.dynamic_gather %max3A_50[%gather3A_62] in [0] : vector<16xf32>, vector<16xi32> -> vector<16xf32>
      %max3A_64 = arith.maximumf %max3A_50, %gather3A_63 : vector<16xf32>
      %xor3A_65 = arith.constant 8 : i32
      %xor3A_66 = vector.broadcast %xor3A_65 : i32 to vector<16xi32>
      %xor3A_67 = arith.xori %iota3A, %xor3A_66 : vector<16xi32>
      %lt3A_68 = arith.constant 0 : i32
      %lt3A_69 = vector.broadcast %lt3A_68 : i32 to vector<16xi32>
      %lt3A_70 = arith.cmpi slt, %xor3A_67, %lt3A_69 : vector<16xi32>
      %add3A_71 = arith.constant 16 : i32
      %add3A_72 = vector.broadcast %add3A_71 : i32 to vector<16xi32>
      %add3A_73 = arith.addi %xor3A_67, %add3A_72 : vector<16xi32>
      %select_n3A_74 = arith.select %lt3A_70, %add3A_73, %xor3A_67 : vector<16xi1>, vector<16xi32>
      %broadcast_in_dim3A_75 = vector.shape_cast %select_n3A_74 : vector<16xi32> to vector<16x1xi32>
      %gather3A_76 = vector.shape_cast %broadcast_in_dim3A_75 : vector<16x1xi32> to vector<16xi32>
      %gather3A_77 = tpu.dynamic_gather %max3A_64[%gather3A_76] in [0] : vector<16xf32>, vector<16xi32> -> vector<16xf32>
      %max3A_78 = arith.maximumf %max3A_64, %gather3A_77 : vector<16xf32>
      %lt3A_79 = arith.constant 133 : i32
      %lt3A_80 = arith.cmpi slt, %add3A_17, %lt3A_79 : i32
      %jit3A_81 = arith.constant 0.000000e+00 : f32
      %broadcast_in_dim3A_82 = vector.broadcast %jit3A_81 : f32 to vector<16xf32>
      %select_n3A_83 = arith.select %lt3A_80, %max3A_78, %broadcast_in_dim3A_82 : vector<16xf32>
      %add3A_84 = arith.addf %scan3A_14, %select_n3A_83 : vector<16xf32>
      scf.yield %add3A_84 : vector<16xf32>
    }
    %scan3A_6 = arith.constant 5 : i32
    %eq3A = arith.constant 0 : i32
    %eq3A_7 = vector.broadcast %eq3A : i32 to vector<16xi32>
    %eq3A_8 = arith.cmpi eq, %iota3A, %eq3A_7 : vector<16xi32>
    %jit3A = arith.constant 0.000000e+00 : f32
    %broadcast_in_dim3A_9 = vector.broadcast %jit3A : f32 to vector<16xf32>
    %select_n3A = arith.select %eq3A_8, %scan3A_5, %broadcast_in_dim3A_9 : vector<16xi1>, vector<16xf32>
    %swap3A = arith.constant 0 : index
    %swap3A_10 = tpu.vector_load %arg7[%swap3A] {strides = array<i32>} : memref<16xf32, #tpu.memory_space<vmem>>, vector<16xf32>,
    %swap3A_11 = vector.shape_cast %swap3A_10 : vector<16xf32> to vector<16xf32>
    %swap3A_12 = vector.shape_cast %select_n3A : vector<16xf32> to vector<16xf32>
    tpu.vector_store %arg7[%swap3A], %swap3A_12 {strides = array<i32>} : memref<16xf32, #tpu.memory_space<vmem>>, vector<16xf32>,
    "tpu.region"() ({
      %run_scoped3A = tpu.sem_alloc : memref<!tpu.dma_semaphore, #tpu.memory_space<semaphore_mem>>
      %dma_start3A = arith.constant 0 : i32
      %dma_start3A_13 = tpu.memref_slice %arg4[%add3A, %dma_start3A] : memref<32x16xf32, #tpu.memory_space<hbm>> -> memref<1x16xf32, #tpu.memory_space<hbm>>
      %dma_start3A_14 = tpu.memref_squeeze %dma_start3A_13 : memref<1x16xf32, #tpu.memory_space<hbm>> -> memref<16xf32, #tpu.memory_space<hbm>>
      %dma_start3A_15 = arith.constant 0 : i32
      %dma_start3A_16 = tpu.memref_slice %arg4[%add3A, %dma_start3A_15] : memref<32x16xf32, #tpu.memory_space<hbm>> -> memref<1x16xf32, #tpu.memory_space<hbm>>
      %dma_start3A_17 = tpu.memref_squeeze %dma_start3A_16 : memref<1x16xf32, #tpu.memory_space<hbm>> -> memref<16xf32, #tpu.memory_space<hbm>>
      tpu.enqueue_dma source(%arg7 : memref<16xf32, #tpu.memory_space<vmem>>) target(%dma_start3A_17 : memref<16xf32, #tpu.memory_space<hbm>>) target_semaphore(%run_scoped3A : memref<!tpu.dma_semaphore, #tpu.memory_space<semaphore_mem>>)
      %dma_wait3A = arith.constant 0 : i32
      %dma_wait3A_18 = tpu.memref_slice %arg4[%add3A, %dma_wait3A] : memref<32x16xf32, #tpu.memory_space<hbm>> -> memref<1x16xf32, #tpu.memory_space<hbm>>
      %dma_wait3A_19 = tpu.memref_squeeze %dma_wait3A_18 : memref<1x16xf32, #tpu.memory_space<hbm>> -> memref<16xf32, #tpu.memory_space<hbm>>
      %dma_wait3A_20 = arith.constant 0 : i32
      %dma_wait3A_21 = tpu.memref_slice %arg4[%add3A, %dma_wait3A_20] : memref<32x16xf32, #tpu.memory_space<hbm>> -> memref<1x16xf32, #tpu.memory_space<hbm>>
      %dma_wait3A_22 = tpu.memref_squeeze %dma_wait3A_21 : memref<1x16xf32, #tpu.memory_space<hbm>> -> memref<16xf32, #tpu.memory_space<hbm>>
      tpu.wait_dma2 semaphore(%run_scoped3A : memref<!tpu.dma_semaphore, #tpu.memory_space<semaphore_mem>>) src(%arg7 : memref<16xf32, #tpu.memory_space<vmem>>) dst(%dma_wait3A_22 : memref<16xf32, #tpu.memory_space<hbm>>)
      tpu.yield
    }) : () -> ()
    return
  }
}

module attributes {stable_mosaic.version = 14 : i64} {
  func.func @_nnce_kernel(%arg0: i32, %arg1: i32, %arg2: memref<1x128x2048xf32, #tpu.memory_space<vmem>>, %arg3: memref<1x1x2048xi32, #tpu.memory_space<vmem>>, %arg4: memref<136x128xf32, #tpu.memory_space<vmem>>, %arg5: memref<1x1xf32, #tpu.memory_space<vmem>>) attributes {dimension_semantics = [#tpu.dimension_semantics<arbitrary>, #tpu.dimension_semantics<arbitrary>], iteration_bounds = array<i64: 4, 2>, scalar_prefetch = 0 : i64, scratch_operands = 0 : i64, tpu.core_type = #tpu.core_type<tc>, window_params = [{transform_indices = @transform_0, window_bounds = array<i64: 1, 128, 2048>}, {transform_indices = @transform_1, window_bounds = array<i64: 1, 1, 2048>}, {pipeline_mode = #tpu.pipeline_mode<synchronous>, transform_indices = @transform_2, window_bounds = array<i64: 136, 128>}, {pipeline_mode = #tpu.pipeline_mode<synchronous>, transform_indices = @transform_3, window_bounds = array<i64: 1, 1>}]} {
    %get3A = arith.constant 0 : index
    %get3A_0 = arith.constant 0 : index
    %get3A_1 = vector.load %arg4[%get3A, %get3A_0] : memref<136x128xf32, #tpu.memory_space<vmem>>, vector<136x128xf32>
    %mul3A = arith.mulf %get3A_1, %get3A_1 : vector<136x128xf32>
    %reduce_sum3A = arith.constant dense<0.000000e+00> : vector<136xf32>
    %reduce_sum3A_2 = vector.multi_reduction <add>, %mul3A, %reduce_sum3A [1] : vector<136x128xf32> to vector<136xf32>
    %broadcast_in_dim3A = vector.shape_cast %reduce_sum3A_2 : vector<136xf32> to vector<136x1xf32>
    %iota3A = tpu.iota {dimensions = array<i32: 0>} : vector<136x1xi32>
    %ge3A = arith.constant 133 : i32
    %ge3A_3 = vector.broadcast %ge3A : i32 to vector<136x1xi32>
    %ge3A_4 = arith.cmpi sge, %iota3A, %ge3A_3 : vector<136x1xi32>
    %jit3A = arith.constant 1.000000e+30 : f32
    %broadcast_in_dim3A_5 = vector.broadcast %jit3A : f32 to vector<136x1xf32>
    %select_n3A = arith.select %ge3A_4, %broadcast_in_dim3A_5, %broadcast_in_dim3A : vector<136x1xi1>, vector<136x1xf32>
    %get3A_6 = arith.constant 0 : index
    %get3A_7 = arith.constant 0 : index
    %get3A_8 = arith.constant 0 : index
    %get3A_9 = vector.load %arg2[%get3A_6, %get3A_7, %get3A_8] : memref<1x128x2048xf32, #tpu.memory_space<vmem>>, vector<1x128x2048xf32>
    %get3A_10 = vector.shape_cast %get3A_9 : vector<1x128x2048xf32> to vector<128x2048xf32>
    %mul3A_11 = arith.mulf %get3A_10, %get3A_10 : vector<128x2048xf32>
    %reduce_sum3A_12 = arith.constant dense<0.000000e+00> : vector<2048xf32>
    %reduce_sum3A_13 = vector.multi_reduction <add>, %mul3A_11, %reduce_sum3A_12 [0] : vector<128x2048xf32> to vector<2048xf32>
    %broadcast_in_dim3A_14 = vector.shape_cast %reduce_sum3A_13 : vector<2048xf32> to vector<1x2048xf32>
    %dot_general3A = arith.constant dense<0.000000e+00> : vector<136x2048xf32>
    %dot_general3A_15 = tpu.matmul %get3A_1, %get3A_10, %dot_general3A {dimension_numbers = #tpu.dot_dimension_numbers<[1], [0], [0], [1], [0, 0, 1, 1], [], []>, transpose_lhs_hint = false} : vector<136x128xf32>, vector<128x2048xf32>, vector<136x2048xf32> -> vector<136x2048xf32>
    %add3A = vector.broadcast %select_n3A : vector<136x1xf32> to vector<136x2048xf32>
    %add3A_16 = vector.broadcast %broadcast_in_dim3A_14 : vector<1x2048xf32> to vector<136x2048xf32>
    %add3A_17 = arith.addf %add3A, %add3A_16 : vector<136x2048xf32>
    %mul3A_18 = arith.constant 2.000000e+00 : f32
    %mul3A_19 = vector.broadcast %mul3A_18 : f32 to vector<136x2048xf32>
    %mul3A_20 = arith.mulf %mul3A_19, %dot_general3A_15 : vector<136x2048xf32>
    %sub3A = arith.subf %add3A_17, %mul3A_20 : vector<136x2048xf32>
    %get3A_21 = arith.constant 0 : index
    %get3A_22 = arith.constant 0 : index
    %get3A_23 = arith.constant 0 : index
    %get3A_24 = vector.load %arg3[%get3A_21, %get3A_22, %get3A_23] : memref<1x1x2048xi32, #tpu.memory_space<vmem>>, vector<1x1x2048xi32>
    %get3A_25 = vector.shape_cast %get3A_24 : vector<1x1x2048xi32> to vector<2048xi32>
    %broadcast_in_dim3A_26 = vector.shape_cast %get3A_25 : vector<2048xi32> to vector<1x2048xi32>
    %iota3A_27 = tpu.iota {dimensions = array<i32: 0>} : vector<136x2048xi32>
    %eq3A = vector.broadcast %broadcast_in_dim3A_26 : vector<1x2048xi32> to vector<136x2048xi32>
    %eq3A_28 = arith.cmpi eq, %iota3A_27, %eq3A : vector<136x2048xi32>
    %abs3A = math.absf %sub3A : vector<136x2048xf32>
    %sqrt3A = math.sqrt %abs3A : vector<136x2048xf32>
    %mul3A_29 = arith.constant -1.000000e+01 : f32
    %mul3A_30 = vector.broadcast %mul3A_29 : f32 to vector<136x2048xf32>
    %mul3A_31 = arith.mulf %mul3A_30, %sqrt3A : vector<136x2048xf32>
    %jit3A_32 = arith.constant 0.000000e+00 : f32
    %broadcast_in_dim3A_33 = vector.broadcast %jit3A_32 : f32 to vector<136x2048xf32>
    %select_n3A_34 = arith.select %eq3A_28, %mul3A_31, %broadcast_in_dim3A_33 : vector<136x2048xi1>, vector<136x2048xf32>
    %reduce_sum3A_35 = arith.constant dense<0.000000e+00> : vector<2048xf32>
    %reduce_sum3A_36 = vector.multi_reduction <add>, %select_n3A_34, %reduce_sum3A_35 [0] : vector<136x2048xf32> to vector<2048xf32>
    %broadcast_in_dim3A_37 = vector.shape_cast %reduce_sum3A_36 : vector<2048xf32> to vector<1x2048xf32>
    %slice3A = vector.extract_strided_slice %mul3A_31 {offsets = [0, 0], sizes = [1, 2048], strides = [1, 1]} : vector<136x2048xf32> to vector<1x2048xf32>
    %slice3A_38 = vector.extract_strided_slice %mul3A_31 {offsets = [0, 0], sizes = [135, 2048], strides = [1, 1]} : vector<136x2048xf32> to vector<135x2048xf32>
    %concatenate3A = tpu.concatenate %slice3A, %slice3A_38 in 0 : vector<1x2048xf32>, vector<135x2048xf32> -> vector<136x2048xf32>
    %select_n3A_39 = arith.select %eq3A_28, %concatenate3A, %mul3A_31 : vector<136x2048xi1>, vector<136x2048xf32>
    %reduce_max3A = arith.constant dense<0xFF800000> : vector<2048xf32>
    %reduce_max3A_40 = vector.multi_reduction <maximumf>, %select_n3A_39, %reduce_max3A [0] : vector<136x2048xf32> to vector<2048xf32>
    %broadcast_in_dim3A_41 = vector.shape_cast %reduce_max3A_40 : vector<2048xf32> to vector<1x2048xf32>
    %max3A = arith.maximumf %broadcast_in_dim3A_41, %broadcast_in_dim3A_37 : vector<1x2048xf32>
    %sub3A_42 = vector.broadcast %max3A : vector<1x2048xf32> to vector<136x2048xf32>
    %sub3A_43 = arith.subf %select_n3A_39, %sub3A_42 : vector<136x2048xf32>
    %exp3A = math.exp %sub3A_43 : vector<136x2048xf32>
    %reduce_sum3A_44 = arith.constant dense<0.000000e+00> : vector<2048xf32>
    %reduce_sum3A_45 = vector.multi_reduction <add>, %exp3A, %reduce_sum3A_44 [0] : vector<136x2048xf32> to vector<2048xf32>
    %broadcast_in_dim3A_46 = vector.shape_cast %reduce_sum3A_45 : vector<2048xf32> to vector<1x2048xf32>
    %sub3A_47 = arith.subf %broadcast_in_dim3A_37, %max3A : vector<1x2048xf32>
    %exp3A_48 = math.exp %sub3A_47 : vector<1x2048xf32>
    %add3A_49 = arith.addf %broadcast_in_dim3A_46, %exp3A_48 : vector<1x2048xf32>
    %sub3A_50 = arith.subf %broadcast_in_dim3A_37, %max3A : vector<1x2048xf32>
    %log3A = math.log %add3A_49 : vector<1x2048xf32>
    %sub3A_51 = arith.subf %sub3A_50, %log3A : vector<1x2048xf32>
    %reduce_sum3A_52 = vector.shape_cast %sub3A_51 : vector<1x2048xf32> to vector<1x1x2048xf32>
    %reduce_sum3A_53 = arith.constant dense<0.000000e+00> : vector<1xf32>
    %reduce_sum3A_54 = vector.multi_reduction <add>, %reduce_sum3A_52, %reduce_sum3A_53 [1, 2] : vector<1x1x2048xf32> to vector<1xf32>
    %reduce_sum3A_55 = vector.shape_cast %reduce_sum3A_54 : vector<1xf32> to vector<1x1x1xf32>
    %reduce_sum3A_56 = vector.extract %reduce_sum3A_55[0, 0, 0] : f32 from vector<1x1x1xf32>
    %broadcast_in_dim3A_57 = vector.broadcast %reduce_sum3A_56 : f32 to vector<1x1xf32>
    %neg3A = arith.constant 0.000000e+00 : f32
    %neg3A_58 = vector.broadcast %neg3A : f32 to vector<1x1xf32>
    %neg3A_59 = arith.subf %neg3A_58, %broadcast_in_dim3A_57 : vector<1x1xf32>
    %eq3A_60 = arith.constant 0 : i32
    %eq3A_61 = arith.cmpi eq, %arg0, %eq3A_60 : i32
    %eq3A_62 = arith.constant 0 : i32
    %eq3A_63 = arith.cmpi eq, %arg1, %eq3A_62 : i32
    %and3A = arith.andi %eq3A_61, %eq3A_63 : i1
    %convert_element_type3A = arith.extui %and3A : i1 to i32
    %cond3A = arith.constant 0 : i32
    %cond3A_64 = arith.cmpi ne, %convert_element_type3A, %cond3A : i32
    scf.if %cond3A_64 {
      %broadcast_in_dim3A_71 = arith.constant 0.000000e+00 : f32
      %broadcast_in_dim3A_72 = vector.broadcast %broadcast_in_dim3A_71 : f32 to vector<1x1xf32>
      %swap3A_73 = arith.constant 0 : index
      %swap3A_74 = arith.constant 0 : index
      %swap3A_75 = vector.load %arg5[%swap3A_73, %swap3A_74] : memref<1x1xf32, #tpu.memory_space<vmem>>, vector<1x1xf32>
      tpu.vector_store %arg5[%swap3A_73, %swap3A_74], %broadcast_in_dim3A_72 {strides = array<i32>} : memref<1x1xf32, #tpu.memory_space<vmem>>, vector<1x1xf32>,
    } else {
    }
    %get3A_65 = arith.constant 0 : index
    %get3A_66 = arith.constant 0 : index
    %get3A_67 = vector.load %arg5[%get3A_65, %get3A_66] : memref<1x1xf32, #tpu.memory_space<vmem>>, vector<1x1xf32>
    %add3A_68 = arith.addf %get3A_67, %neg3A_59 : vector<1x1xf32>
    %swap3A = arith.constant 0 : index
    %swap3A_69 = arith.constant 0 : index
    %swap3A_70 = vector.load %arg5[%swap3A, %swap3A_69] : memref<1x1xf32, #tpu.memory_space<vmem>>, vector<1x1xf32>
    tpu.vector_store %arg5[%swap3A, %swap3A_69], %add3A_68 {strides = array<i32>} : memref<1x1xf32, #tpu.memory_space<vmem>>, vector<1x1xf32>,
    return
  }
  func.func @transform_0(%arg0: i32, %arg1: i32) -> (i32, i32, i32) {
    %c0_i32 = arith.constant 0 : i32
    %c0_i32_0 = arith.constant 0 : i32
    return %arg0, %c0_i32, %arg1 : i32, i32, i32
  }
  func.func @transform_1(%arg0: i32, %arg1: i32) -> (i32, i32, i32) {
    %mul3A = arith.constant 2 : i32
    %mul3A_0 = arith.muli %arg0, %mul3A : i32
    %add3A = arith.addi %mul3A_0, %arg1 : i32
    %c0_i32 = arith.constant 0 : i32
    %c0_i32_1 = arith.constant 0 : i32
    %c0_i32_2 = arith.constant 0 : i32
    return %add3A, %c0_i32, %c0_i32_1 : i32, i32, i32
  }
  func.func @transform_2(%arg0: i32, %arg1: i32) -> (i32, i32) {
    %c0_i32 = arith.constant 0 : i32
    %c0_i32_0 = arith.constant 0 : i32
    %c0_i32_1 = arith.constant 0 : i32
    return %c0_i32, %c0_i32_0 : i32, i32
  }
  func.func @transform_3(%arg0: i32, %arg1: i32) -> (i32, i32) {
    %c0_i32 = arith.constant 0 : i32
    %c0_i32_0 = arith.constant 0 : i32
    %c0_i32_1 = arith.constant 0 : i32
    return %c0_i32, %c0_i32_0 : i32, i32
  }
}

</mosaic_0001>

<sc_bundles>
// kernel: kernel.4.cloned.1.call-start
scs
__scs_entry_jumppad:
0x0: {  	(pc) =	sbr.rel $0x88, $3  }
0x1: {  	(tag) =	ssettag $0x0;
	lr =	simm.s32 $0x1  }
0x2: {  	[smem:$0x3F9E] =	sst lr;
	_ =	strace $0xD0000000  }
0x3: {  	_ = 	snop  }
0x4: {  	_ = 	snop  }
0x5: {  	_ = 	snop  }
0x6: {  	_ = 	snop  }
0x7: {  	_ = 	snop  }
__scs_overlays_trampoline_lowered:
0x8: {  	[smem:$0x3FAD] =	sst s0  }
0x9: {  	[smem:$0x3FAE] =	sst s1  }
0xa: {  	[smem:$0x3FAF] =	sst s2  }
0xb: {  	[smem:$0x3FB0] =	sst s3  }
0xc: {  	[smem:$0x3FB1] =	sst s4  }
0xd: {  	[smem:$0x3FB2] =	sst s5  }
0xe: {  	[smem:$0x3FB3] =	sst s6  }
0xf: {  	[smem:$0x3FB4] =	sst s7  }
0x10: {  	[smem:$0x3FB5] =	sst s8  }
0x11: {  	[smem:$0x3FB6] =	sst s9;
	s0 =	simm.s32 @!p0 $0x0  }
0x12: {  	s1 =	sld [smem:$0x3F9C];
	s0 =	simm.s32 @p0 $0x1  }
0x13: {  	[smem:$0x3FB7] =	sst s0;
	s0 =	simm.s32 @!p1 $0x0  }
0x14: {  	s2 =	sld [smem:$0x3F9B];
	s0 =	simm.s32 @p1 $0x1  }
0x15: {  	[smem:$0x3FB8] =	sst s0;
	s0 =	simm.s32 @!p2 $0x0  }
0x16: {  	s3 =	sld [smem:$0x3FDB];
	s0 =	simm.s32 @p2 $0x1  }
0x17: {  	s4 =	simm.s32 $0x1BF5;
	[smem:$0x3FBA] =	sst s0  }
0x18: {  	s0 =	sld [smem:$0x3F9D];
	_ =	swait.ge [sflag:s4], $0x0  }
0x19: {  	s7 =	sld [smem:$0x3F9E]  }
0x1a: {  	s8 =	sadd.s32 $0xFFFFE003, lr  }
0x1b: {  	s9 =	sadd.s32 $0xFFFFFEF7, lr;
	s5 =	simm.s32 $0xFFFFFFFF;
	p2 =	slt.u32 s8, $0xFFFFF086  }
0x1c: {  	p1 =	slt.u32 s9, $0xF7A;
	s5 =	simm.s32 @!p2 $0x0  }
0x1d: {  	s5 =	simm.s32 @p1 $0x1;
	p0 =	seq.s32 s7, s2  }
0x1e: {  	s7 =	smul.u32 @!p0 $0xF7A, s2;
	p2 =	seq.s32 @!p0 s5, $0x0  }
0x1f: {  	s9 =	smul.u32 $0xF7A, s1;
	s8 =	simm.s32 @!p0 $0x1BF5;
	p2 =	por !p2, p0  }
0x20: {  	[sflag:s8] =	ssyncset.s32 @!p0 $0xFFFFF086;
	s6 =	sadd.s32 @!p0 s3, s7;
	s7 =	simm.s32 @!p0 $0x108  }
0x21: {  	s3 =	sadd.s32 s3, s9;
	s6 =	sadd.s32 @!p0 $0x88, s6;
	s7 =	simm.s32 @p2 $0x1082  }
0x22: {  	[simem:s7], [sflag:s8] =	dma.local @!p0 [hbm:s6], $0xF7A  }
0x23: {  	s9 =	sor.u32 $0xD0000000, s2;
	s6 =	simm.s32 $0x108;
	_ =	swait.ge @!p0 [sflag:s8], $0x0  }
0x24: {  	s3 =	sadd.s32 $0x88, s3;
	s6 =	simm.s32 @!p1 $0x1082;
	[sflag:s4] =	ssyncset.s32 $0xFFFFF086  }
0x25: {  	[simem:s6], [sflag:s4] =	dma.local [hbm:s3], $0xF7A  }
0x26: {  	[smem:$0x3F9E] =	sst s1;
	(tag) =	ssettag s2;
	_ =	strace s9  }
0x27: {  	s1 =	sld [smem:$0x3FAE]  }
0x28: {  	s2 =	sld [smem:$0x3FAF]  }
0x29: {  	s4 =	sld [smem:$0x3FB1]  }
0x2a: {  	p0 =	seq.s32 s5, $0x0;
	s5 =	sld [smem:$0x3FB2]  }
0x2b: {  	s6 =	sld [smem:$0x3FB3]  }
0x2c: {  	s7 =	sld [smem:$0x3FB4]  }
0x2d: {  	s3 =	simm.s32 $0x108;
	s8 =	sld [smem:$0x3FB5]  }
0x2e: {  	s3 =	simm.s32 @!p0 $0x1082;
	s9 =	sld [smem:$0x3FB6]  }
0x2f: {  	lr =	sadd.s32 s0, s3;
	s0 =	sld [smem:$0x3FAD]  }
0x30: {  	s3 =	sld [smem:$0x3FB0]  }
0x31: {  	[smem:$0x3FB9] =	sst s10  }
0x32: {  	s10 =	sld [smem:$0x3FB7];
	_ =	sdelay $0x3  }
0x33: {  	p0 =	seq.s32 s10, $0x1;
	s10 =	sld [smem:$0x3FB9];
	_ =	sdelay $0x3  }
0x34: {  	[smem:$0x3FB9] =	sst s10  }
0x35: {  	s10 =	sld [smem:$0x3FB8];
	_ =	sdelay $0x3  }
0x36: {  	p1 =	seq.s32 s10, $0x1;
	s10 =	sld [smem:$0x3FB9];
	_ =	sdelay $0x3  }
0x37: {  	[smem:$0x3FB9] =	sst s10  }
0x38: {  	s10 =	sld [smem:$0x3FBA]  }
0x39: {  	_ = 	snop;
	(pc) =	sbr.ind lr, $3  }
0x3a: {  	_ = 	snop  }
0x3b: {  	_ = 	snop  }
0x3c: {  	p2 =	seq.s32 s10, $0x1;
	s10 =	sld [smem:$0x3FB9]  }
0x3d: {  	_ =	shalt  }
0x3e: {  	_ =	shalt  }
0x3f: {  	_ =	shalt  }
0x40: {  	_ =	shalt  }
0x41: {  	_ =	shalt  }
0x42: {  	_ =	shalt  }
0x43: {  	_ =	shalt  }
0x44: {  	_ =	shalt  }
0x45: {  	_ =	shalt  }
0x46: {  	_ =	shalt  }
0x47: {  	_ =	shalt  }
0x48: {  	_ =	shalt  }
0x49: {  	_ =	shalt  }
0x4a: {  	_ =	shalt  }
0x4b: {  	_ =	shalt  }
0x4c: {  	_ =	shalt  }
0x4d: {  	_ =	shalt  }
0x4e: {  	_ =	shalt  }
0x4f: {  	_ =	shalt  }
0x50: {  	_ =	shalt  }
0x51: {  	_ =	shalt  }
0x52: {  	_ =	shalt  }
0x53: {  	_ =	shalt  }
0x54: {  	_ =	shalt  }
0x55: {  	_ =	shalt  }
0x56: {  	_ =	shalt  }
0x57: {  	_ =	shalt  }
0x58: {  	_ =	shalt  }
0x59: {  	_ =	shalt  }
0x5a: {  	_ =	shalt  }
0x5b: {  	_ =	shalt  }
0x5c: {  	_ =	shalt  }
0x5d: {  	_ =	shalt  }
0x5e: {  	_ =	shalt  }
0x5f: {  	_ =	shalt  }
0x60: {  	_ =	shalt  }
0x61: {  	_ =	shalt  }
0x62: {  	_ =	shalt  }
0x63: {  	_ =	shalt  }
0x64: {  	_ =	shalt  }
0x65: {  	_ =	shalt  }
0x66: {  	_ =	shalt  }
0x67: {  	_ =	shalt  }
0x68: {  	_ =	shalt  }
0x69: {  	_ =	shalt  }
0x6a: {  	_ =	shalt  }
0x6b: {  	_ =	shalt  }
0x6c: {  	_ =	shalt  }
0x6d: {  	_ =	shalt  }
0x6e: {  	_ =	shalt  }
0x6f: {  	_ =	shalt  }
0x70: {  	_ =	shalt  }
0x71: {  	_ =	shalt  }
0x72: {  	_ =	shalt  }
0x73: {  	_ =	shalt  }
0x74: {  	_ =	shalt  }
0x75: {  	_ =	shalt  }
0x76: {  	_ =	shalt  }
0x77: {  	_ =	shalt  }
0x78: {  	_ =	shalt  }
0x79: {  	_ =	shalt  }
0x7a: {  	_ =	shalt  }
0x7b: {  	_ =	shalt  }
0x7c: {  	_ =	shalt  }
0x7d: {  	_ =	shalt  }
0x7e: {  	_ =	shalt  }
0x7f: {  	_ =	shalt  }
0x80: {  	_ =	shalt  }
0x81: {  	_ =	shalt  }
0x82: {  	_ =	shalt  }
0x83: {  	_ =	shalt  }
0x84: {  	_ =	shalt  }
0x85: {  	_ =	shalt  }
0x86: {  	_ =	shalt  }
0x87: {  	_ =	shalt  }
.Lfunc_end0:
.L_simem_size_0:
called_computation_lowered:
.L_overlay_start_0:
0x88: {  	s2 =	sld [smem:$0x3FD9]  }
0x89: {  	s3 =	sld [smem:$0x3FFE];
	_ =	sdelay $0x1  }
0x8a: {  	s1 =	srdreg.scid  }
0x8b: {  	s0 =	sand.u32 $0x1, s1  }
0x8c: {  	s16 =	sshll.u32 s0, $0xA;
	s2 =	sadd.s32 s3, s2  }
0x8d: {  	s2 =	sadd.s32 s2, s16  }
0x8e: {  	[smem:$0x3FC5] =	sst s2  }
0x8f: {  	_ = 	snop  }
0x90: {  	(tm) =	ssettm $0x1  }
0x91: {  	s17 =	sld [smem:$0x3FFB];
	_ =	sdelay $0x3  }
0x92: {  	_ =	strace s17  }
0x93: {  	s2 =	sld [smem:$0x3FFC];
	_ =	sdelay $0x3  }
0x94: {  	_ =	strace s2  }
0x95: {  	s2 =	sld [smem:$0x3FFD];
	_ =	sdelay $0x3  }
0x96: {  	_ =	strace s2  }
0x97: {  	_ =	strace $0x8FFFFFFF  }
0x98: {  	s18 =	sld [smem:$0x3FDB];
	_ =	sdelay $0x1  }
0x99: {  	s19 =	simm.s32 $_scs_section_size  }
0x9a: {  	s4 =	simm.s32 $_size__tile_overlayer_lowered;
	s5 =	simm.s32 $_tile_overlayer_lowered  }
0x9b: {  	s22 =	simm.s32 $0x1BFF;
	s21 =	sshll.u32 s5, $0x1;
	s2 =	sadd.s32 s19, s18  }
0x9c: {  	s6 =	simm.s32 $0x0;
	s20 =	sshll.u32 s4, $0x1;
	s4 =	sadd.s32 s21, s2  }
0x9d: {  	[timem:s6], [sflag:s22] =	dma.local [hbm:s4], s20  }
0x9e: {  	_ =	swait.ge [sflag:s22], s20  }
0x9f: {  	s3 =	ssub.s32 $0x0, s20;
	[sflag:s22] =	ssyncset.done $0x0  }
0xa0: {  	[sflag:s22] =	ssyncadd.s32 s3;
	_ =	sdelay $0x1  }
0xa1: {  	s23 =	simm.s32 $0x1B8B  }
0xa2: {  	_ =	swait.ge [sflag:s23], $0x1  }
0xa3: {  	[sflag:s23] =	ssyncset.done $0x0  }
0xa4: {  	s25 =	simm.s32 $0x1B8E;
	s24 =	sld [smem:$0x3FFE];
	[sflag:s23] =	ssyncadd.s32 $0xFFFFFFFF  }
0xa5: {  	s26 =	simm.s32 $execute0_lowered;
	[smem:$0x3FD2] =	sst s25  }
0xa6: {  	s4 =	sshll.u32 s26, $0x1;
	_ =	strace $0x80000046;
	[dreg:$0x1] =	wrdreg $0xFFFFFFFF  }
0xa7: {  	s28 =	simm.s32 $_size_execute0_lowered;
	s2 =	sadd.s32 s2, s4;
	[dreg:$0x0] =	wrdreg $0x0  }
0xa8: {  	s4 =	sshll.u32 s28, $0x1;
	[dreg:$0x2] =	wrdreg s2  }
0xa9: {  	[dreg:$0x3] =	wrdreg s4  }
0xaa: {  	[dreg:$0x4] =	wrdreg $0xC0  }
0xab: {  	_ =	task [dreg:s6], $0x5FFFF  }
0xac: {  	[dreg:$0x1] =	wrdreg $0xFFFFFFFF  }
0xad: {  	[dreg:$0x0] =	wrdreg $0x60  }
0xae: {  	[dreg:$0x2] =	wrdreg s24  }
0xaf: {  	[dreg:$0x3] =	wrdreg $0x9  }
0xb0: {  	_ =	task.clear_ibuf [dreg:s6], $0x4FFFF;
	_ =	strace $0x90000046  }
0xb1: {  	s29 =	simm.s32 $0x9;
	_ =	strace $0x80000048  }
0xb2: {  	_ =	swait.ge [sflag:s29], $0x1  }
0xb3: {  	[sflag:s29] =	ssyncadd.s32 $0xFFFFFFFF  }
0xb4: {  	_ =	strace $0x90000048  }
0xb5: {  	_ =	sfence  }
0xb6: {  	s30 =	sld [smem:$0x0];
	_ =	sdelay $0x2  }
0xb7: {  	s31 =	sshll.u32 s1, $0xD;
	s1 =	sshrl.u32 s1, $0x2  }
0xb8: {  	s3 =	sand.u32 $0x4000, s31;
	s1 =	sadd.s32 s1, s30  }
0xb9: {  	s0 =	sor.u32 s3, s0;
	s1 =	sshll.u32 s1, $0x11  }
0xba: {  	s0 =	sor.u32 s1, s0  }
0xbb: {  	s0 =	sadd.s32 $0x8F2B, s0  }
0xbc: {  	[sflag:s0] =	ssyncadd.remote.s32 $0x1  }
0xbd: {  	_ =	sfence.sel $0xFFFF  }
0xbe: {  	[dreg:$0x0] =	wrdreg $0xFFFFFFFF;
	(pc) =	sbr.abs _section_cstart, $3  }
0xbf: {  	[dreg:$0x1] =	wrdreg $0xFFFFFFFF  }
0xc0: {  	_ =	task.clear_ibuf [dreg:s6], $0x2FFFF;
	_ =	strace $0x9FFFFFFF  }
0xc1: {  	(tm) =	ssettm $0x7FFFFFFF  }
tec
execute0_lowered:
.L_overlay_start_1:
0x0: {  	(tag) =	ssettag $0x1  }
0x1: {  	v0 =	vimm.f32 $1.000000010e-01  }
0x2: {  	v1 =	vimm.s32 $0x1;
	v2 =	vimm.s32 $0x2;
	v3 =	vimm.s32 $0x3  }
0x3: {  	v4 =	vimm.s32 $0x4;
	v5 =	vimm.s32 $0x5;
	v6 =	vimm.s32 $0x6  }
0x4: {  	v7 =	vimm.s32 $0x7;
	v9 =	vimm.s32 $0x9;
	v11 =	vimm.s32 $0xEFCDAB89  }
0x5: {  	s6 =	rddreg [dreg:$0x0];
	s1 =	simm.s32 $0x0;
	v10 =	vimm.s32 $0xA;
	v13 =	vimm.s32 $0x67452301;
	v12 =	vimm.s32 $0xC  }
0x6: {  	v14 =	vimm.s32 $0xE;
	v17 =	vimm.s32 $0xDCFE98BA;
	v18 =	vimm.s32 $0x54761032;
	[smem:$0x7FF] =	sst s1  }
0x7: {  	s0 =	rddreg [dreg:$0x1];
	v8 =	vimm.s32 $0x8;
	v19 =	vimm.s32 $0xBA98FEDC;
	v20 =	vimm.s32 $0x32107654;
	_ =	strace $0x80000047  }
0x8: {  	v21 =	vimm.s32 $0xFEDCBA98;
	v22 =	vimm.s32 $0x76543210;
	(erf) = vrcp.f32 v0  }
0x9: {  	vm0 =	vmmov $0x1;
	v15 =	vunpack.c.l.s4.s8 v11;
	v11 =	vimm.s32 $0xB  }
0xa: {  	v16 =	vunpack.c.l.s4.s8 v13;
	v13 =	vimm.s32 $0xD;
	v17 =	vunpack.c.l.s4.s8 v17  }
0xb: {  	v18 =	vunpack.c.l.s4.s8 v18;
	v19 =	vunpack.c.l.s4.s8 v19;
	v20 =	vunpack.c.l.s4.s8 v20  }
0xc: {  	s3 =	srdreg.scid;
	s2 =	stileid.u32;
	s10 =	simm.s32 $0xC400;
	v21 =	vunpack.c.l.s4.s8 v21;
	v22 =	vunpack.c.l.s4.s8 v22;
	v0 =	vimm.s32 $0x0  }
0xd: {  	s11 =	simm.s32 $0x0;
	s4 =	sand.u32 $0x1, s3;
	s31 =	sshll.u32 s2, $0x1;
	v15 =	vunpack.c.0.s8.s32 v15;
	v16 =	vunpack.c.0.s8.s32 v16;
	v19 =	vunpack.c.0.s8.s32 v19  }
0xe: {  	s5 =	sadd.s32 $0xE00, s6;
	s3 =	sor.u32 s4, s31;
	s7 =	ssub.s32 $0x2, s4;
	v17 =	vunpack.c.0.s8.s32 v17;
	v18 =	vunpack.c.0.s8.s32 v18;
	v21 =	vunpack.c.0.s8.s32 v21  }
0xf: {  	s4 =	sadd.s32 $0x400, s6;
	s8 =	sshll.u32 s3, $0x4;
	s9 =	sshrl.u32 s7, $0x1;
	v20 =	vunpack.c.0.s8.s32 v20;
	v22 =	vunpack.c.0.s8.s32 v22;
	v15 =	vcombine.low v16, v15  }
0x10: {  	s6 =	sadd.s32 s8, s6;
	s7 =	ssub.s32 s7, s9;
	s8 =	simm.s32 $0x1;
	v16 =	vimm.s32 $0xF;
	v17 =	vcombine.low v18, v17;
	v21 =	vand.u32 $0xF, v21  }
0x11: {  	s9 =	simm.s32 $0x4400;
	s6 =	sadd.s32 $0x1E00, s6;
	s7 =	smax.u32 s7, $0x1;
	v18 =	vcombine.low v20, v19;
	v20 =	vlaneseq.u32;
	v21 =	vcombine.low v21, v22;
	v19 =	vpop (erf)  }
.LBB2_1:
0x12: {  	[tilespmem:s1], [sflag:$0x1] =	stream.linear.gather [hbm4b:s4+s1], $0x4400, $0x38;
	[tilespmem:$0xC480] =	vst v63  }
0x13: {  	_ =	swait.ge [sflag:s8], $0x4400  }
0x14: {  	[sflag:s8] =	ssyncset.done $0x0  }
0x15: {  	[sflag:s8] =	ssyncadd.s32 $0xFFFFBC00  }
0x16: {  	[tilespmem:s9], [sflag:$0x1] =	stream.linear.gather [hbm4b:s5+s1], $0x8000, $0x38;
	[tilespmem:$0xC480] =	vst v63  }
0x17: {  	_ =	swait.ge [sflag:s8], $0x8000  }
0x18: {  	[sflag:s8] =	ssyncset.done $0x0  }
0x19: {  	v22 =	vimm.f32 $0.0e+00;
	s12 =	smov.u32 s3;
	s13 =	simm.s32 $0x0;
	[sflag:s8] =	ssyncadd.s32 $0xFFFF8000  }
.LBB2_2:
0x1a: {  	p0 =	slt.s32 s12, $0x84;
	s14 =	smov.u32 s12  }
0x1b: {  	s15 =	sshll.u32 s13, $0x5;
	s14 =	simm.s32 @!p0 $0x84  }
0x1c: {  	s16 =	sshll.u32 s14, $0x7;
	s14 =	sor.u32 s3, s15  }
0x1d: {  	s16 =	sand.u32 $0x3FFFFF80, s16;
	s15 =	smin.u32 s14, $0x84  }
0x1e: {  	v24 =	vimm.f32 $0.0e+00;
	s17 =	simm.s32 $0x0;
	v23 =	vmov s15;
	s15 =	simm.s32 $0x0;
	v25 =	vmov s16;
	s16 =	simm.s32 $0x0  }
.LBB2_3:
0x1f: {  	_ = 	snop  }
0x20: {  	s18 =	sshll.u32 s16, $0x2;
	s19 =	sand.u32 $0x7, s15  }
0x21: {  	s18 =	sand.u32 $0xFFFFF000, s18;
	s19 =	sshll.u32 s19, $0x6  }
0x22: {  	s31 =	simm.s32 $0x0;
	s18 =	sor.u32 s19, s18  }
0x23: {  	v26 =	vld.idx.msk [tilespmem:v25+s31+$0x0 ss:$0x1], $0xffff;
	s18 =	sshrl.u32 s18, $0x2  }
0x24: {  	s19 =	sadd.s32 $0x4C00, s18  }
0x25: {  	v27 =	vld [tilespmem:s19+$0xFFFFF800];
	_ =	sdelay $0x1  }
0x26: {  	v28 =	vld [tilespmem:s19+$0xFFFFF880]  }
0x27: {  	v29 =	vperm.xlane v26, v0  }
0x28: {  	v30 =	vld [tilespmem:s19+$0xFFFFF900]  }
0x29: {  	v31 =	vperm.xlane v26, v1;
	v27 =	vsub.f32 v29, v27  }
0x2a: {  	v29 =	vld [tilespmem:s19+$0xFFFFF980]  }
0x2b: {  	v32 =	vperm.xlane v26, v2;
	v28 =	vsub.f32 v31, v28;
	v27 =	vmul.f32 v27, v27  }
0x2c: {  	v34 =	vld [tilespmem:s19+$0xFFFFFA00];
	v33 =	vperm.xlane v26, v3;
	v31 =	vimm.f32 $0.0e+00  }
0x2d: {  	v30 =	vsub.f32 v32, v30;
	v28 =	vmul.f32 v28, v28;
	v27 =	vadd.f32 v27, v31  }
0x2e: {  	v57 =	vld [tilespmem:s19+$0xFFFFFA80];
	v31 =	vperm.xlane v26, v4  }
0x2f: {  	v29 =	vsub.f32 v33, v29;
	v27 =	vadd.f32 v28, v27;
	v28 =	vmul.f32 v30, v30  }
0x30: {  	v58 =	vld [tilespmem:s19+$0xFFFFFB00];
	v30 =	vperm.xlane v26, v5  }
0x31: {  	v27 =	vadd.f32 v28, v27;
	v28 =	vmul.f32 v29, v29;
	v29 =	vsub.f32 v31, v34  }
0x32: {  	v59 =	vld [tilespmem:s19+$0xFFFFFB80];
	v31 =	vperm.xlane v26, v6  }
0x33: {  	v27 =	vadd.f32 v28, v27;
	v28 =	vmul.f32 v29, v29;
	v29 =	vsub.f32 v30, v57  }
0x34: {  	v60 =	vld [tilespmem:s19+$0x0];
	v30 =	vperm.xlane v26, v7  }
0x35: {  	v61 =	vld [tilespmem:s19+$0x80];
	v27 =	vadd.f32 v28, v27;
	v28 =	vmul.f32 v29, v29;
	v29 =	vsub.f32 v31, v58  }
0x36: {  	v31 =	vperm.xlane v26, v8  }
0x37: {  	v27 =	vadd.f32 v28, v27;
	v28 =	vmul.f32 v29, v29;
	v29 =	vsub.f32 v30, v59  }
0x38: {  	v62 =	vld [tilespmem:s19+$0x100];
	v30 =	vperm.xlane v26, v9  }
0x39: {  	v63 =	vld [tilespmem:s19+$0x180];
	v27 =	vadd.f32 v28, v27;
	v28 =	vmul.f32 v29, v29;
	v29 =	vsub.f32 v31, v60  }
0x3a: {  	v30 =	vsub.f32 v30, v61  }
0x3b: {  	v31 =	vperm.xlane v26, v10;
	v27 =	vadd.f32 v28, v27;
	v28 =	vmul.f32 v29, v29  }
0x3c: {  	v35 =	vperm.xlane v26, v11;
	v29 =	vld [tilespmem:s19+$0x200]  }
0x3d: {  	v34 =	vsub.f32 v31, v62;
	v27 =	vadd.f32 v28, v27;
	v28 =	vmul.f32 v30, v30  }
0x3e: {  	v35 =	vsub.f32 v35, v63;
	v30 =	vld [tilespmem:s19+$0x280]  }
0x3f: {  	s20 =	simm.s32 $0x10;
	v31 =	vperm.xlane v26, v12;
	v34 =	vmul.f32 v34, v34;
	v33 =	vadd.f32 v28, v27;
	v28 =	vld [tilespmem:s19+$0x300]  }
0x40: {  	s18 =	sshll.u32 s17, $0x4;
	v32 =	vperm.xlane v26, v13;
	v27 =	vld.idx.msk [tilespmem:v25+s20+$0x0 ss:$0x1], $0xffff;
	s20 =	simm.s32 $0x80  }
.LBB2_4:
0x41: {  	p0 =	sne.s32 s20, $0x1C0;
	v33 =	vadd.f32 v34, v33;
	v34 =	vmul.f32 v35, v35;
	v29 =	vsub.f32 v31, v29  }
0x42: {  	v31 =	vperm.xlane v26, v14;
	v35 =	vld [tilespmem:s19+$0x380]  }
0x43: {  	s19 =	sadd.s32 $0x1000, s19;
	v33 =	vadd.f32 v34, v33;
	v29 =	vmul.f32 v29, v29;
	v30 =	vsub.f32 v32, v30  }
0x44: {  	v34 =	vperm.xlane v26, v16;
	v32 =	vld [tilespmem:s19+$0xFFFFF800]  }
0x45: {  	v28 =	vsub.f32 v31, v28;
	v29 =	vadd.f32 v29, v33;
	v30 =	vmul.f32 v30, v30  }
0x46: {  	v31 =	vperm.xlane v27, v0;
	v26 =	vmov v27;
	v33 =	vld [tilespmem:s19+$0xFFFFF880]  }
0x47: {  	v28 =	vmul.f32 v28, v28;
	v27 =	vadd.f32 v30, v29;
	v29 =	vsub.f32 v34, v35  }
0x48: {  	v30 =	vperm.xlane v26, v1;
	v34 =	vld [tilespmem:s19+$0xFFFFF900]  }
0x49: {  	v31 =	vsub.f32 v31, v32;
	v27 =	vadd.f32 v28, v27;
	v28 =	vmul.f32 v29, v29  }
0x4a: {  	v29 =	vperm.xlane v26, v2;
	v32 =	vld [tilespmem:s19+$0xFFFFF980]  }
0x4b: {  	v31 =	vmul.f32 v31, v31;
	v30 =	vsub.f32 v30, v33;
	v27 =	vadd.f32 v28, v27  }
0x4c: {  	v28 =	vperm.xlane v26, v3;
	v33 =	vld [tilespmem:s19+$0xFFFFFA00]  }
0x4d: {  	v27 =	vadd.f32 v31, v27;
	v30 =	vmul.f32 v30, v30;
	v29 =	vsub.f32 v29, v34  }
0x4e: {  	v31 =	vperm.xlane v26, v4;
	v34 =	vld [tilespmem:s19+$0xFFFFFA80]  }
0x4f: {  	v27 =	vadd.f32 v30, v27;
	v29 =	vmul.f32 v29, v29;
	v28 =	vsub.f32 v28, v32  }
0x50: {  	v30 =	vperm.xlane v26, v5;
	v32 =	vld [tilespmem:s19+$0xFFFFFB00]  }
0x51: {  	v27 =	vadd.f32 v29, v27;
	v28 =	vmul.f32 v28, v28;
	v29 =	vsub.f32 v31, v33  }
0x52: {  	v31 =	vperm.xlane v26, v6;
	v33 =	vld [tilespmem:s19+$0xFFFFFB80]  }
0x53: {  	v27 =	vadd.f32 v28, v27;
	v28 =	vmul.f32 v29, v29;
	v29 =	vsub.f32 v30, v34  }
0x54: {  	v30 =	vperm.xlane v26, v7;
	v34 =	vld [tilespmem:s19+$0x0]  }
0x55: {  	v27 =	vadd.f32 v28, v27;
	v28 =	vmul.f32 v29, v29;
	v29 =	vsub.f32 v31, v32  }
0x56: {  	v31 =	vperm.xlane v26, v8;
	v32 =	vld [tilespmem:s19+$0x80]  }
0x57: {  	v27 =	vadd.f32 v28, v27;
	v28 =	vmul.f32 v29, v29;
	v29 =	vsub.f32 v30, v33  }
0x58: {  	v30 =	vperm.xlane v26, v9;
	v33 =	vld [tilespmem:s19+$0x100]  }
0x59: {  	v27 =	vadd.f32 v28, v27;
	v28 =	vmul.f32 v29, v29;
	v29 =	vsub.f32 v31, v34  }
0x5a: {  	v31 =	vperm.xlane v26, v10;
	v35 =	vld [tilespmem:s19+$0x180]  }
0x5b: {  	v27 =	vadd.f32 v28, v27;
	v28 =	vmul.f32 v29, v29;
	v30 =	vsub.f32 v30, v32  }
.Ltmp0:
0x5c: {  	v32 =	vperm.xlane v26, v11;
	v29 =	vld [tilespmem:s19+$0x200];
	(pc) =	sbr.rel @p0 .LBB2_4-.Ltmp0, $4  }
0x5d: {  	v27 =	vadd.f32 v28, v27;
	v28 =	vmul.f32 v30, v30;
	v34 =	vsub.f32 v31, v33  }
0x5e: {  	v31 =	vperm.xlane v26, v12;
	v30 =	vld [tilespmem:s19+$0x280]  }
0x5f: {  	s21 =	sshra.s32 s20, $0x2;
	v33 =	vadd.f32 v28, v27;
	v34 =	vmul.f32 v34, v34;
	v35 =	vsub.f32 v32, v35;
	v28 =	vld [tilespmem:s19+$0x300]  }
0x60: {  	s20 =	sadd.s32 $0x40, s20;
	v32 =	vperm.xlane v26, v13;
	v27 =	vld.idx.msk [tilespmem:v25+s21+$0x0 ss:$0x1], $0xffff  }
0x61: {  	v33 =	vadd.f32 v34, v33;
	v51 =	vmul.f32 v35, v35;
	v29 =	vsub.f32 v31, v29  }
0x62: {  	v52 =	vperm.xlane v26, v14;
	v53 =	vld [tilespmem:s19+$0x380]  }
0x63: {  	s31 =	sadd.s32 $0x1000, s19;
	v33 =	vadd.f32 v51, v33;
	v29 =	vmul.f32 v29, v29;
	v30 =	vsub.f32 v32, v30  }
0x64: {  	v26 =	vperm.xlane v26, v16;
	v54 =	vld [tilespmem:s31+$0xFFFFF800]  }
0x65: {  	v28 =	vsub.f32 v52, v28;
	v29 =	vadd.f32 v29, v33;
	v30 =	vmul.f32 v30, v30  }
0x66: {  	v56 =	vld [tilespmem:s31+$0xFFFFF880];
	v55 =	vperm.xlane v27, v0  }
0x67: {  	v28 =	vmul.f32 v28, v28;
	v26 =	vsub.f32 v26, v53;
	v29 =	vadd.f32 v30, v29  }
0x68: {  	v58 =	vld [tilespmem:s31+$0xFFFFF900];
	v57 =	vperm.xlane v27, v1  }
0x69: {  	v31 =	vsub.f32 v55, v54;
	v26 =	vmul.f32 v26, v26;
	v28 =	vadd.f32 v28, v29  }
0x6a: {  	v60 =	vld [tilespmem:s31+$0xFFFFF980];
	v59 =	vperm.xlane v27, v2  }
0x6b: {  	v30 =	vsub.f32 v57, v56;
	v31 =	vmul.f32 v31, v31;
	v26 =	vadd.f32 v26, v28  }
0x6c: {  	v62 =	vld [tilespmem:s31+$0xFFFFFA00];
	v61 =	vperm.xlane v27, v3  }
0x6d: {  	v30 =	vmul.f32 v30, v30;
	v29 =	vsub.f32 v59, v58;
	v26 =	vadd.f32 v31, v26  }
0x6e: {  	v36 =	vld [tilespmem:s31+$0xFFFFFA80];
	v63 =	vperm.xlane v27, v4  }
0x6f: {  	v29 =	vmul.f32 v29, v29;
	v28 =	vsub.f32 v61, v60;
	v26 =	vadd.f32 v30, v26  }
0x70: {  	v38 =	vld [tilespmem:s31+$0xFFFFFB00];
	v37 =	vperm.xlane v27, v5  }
0x71: {  	v39 =	vsub.f32 v63, v62;
	v28 =	vmul.f32 v28, v28;
	v26 =	vadd.f32 v29, v26  }
0x72: {  	v41 =	vld [tilespmem:s31+$0xFFFFFB80];
	v40 =	vperm.xlane v27, v6  }
0x73: {  	v43 =	vsub.f32 v37, v36;
	v42 =	vmul.f32 v39, v39;
	v26 =	vadd.f32 v28, v26  }
0x74: {  	v45 =	vld [tilespmem:s31+$0x0];
	v44 =	vperm.xlane v27, v7  }
0x75: {  	v47 =	vsub.f32 v40, v38;
	v46 =	vmul.f32 v43, v43;
	v26 =	vadd.f32 v42, v26  }
0x76: {  	v49 =	vld [tilespmem:s31+$0x80];
	v48 =	vperm.xlane v27, v8  }
0x77: {  	v51 =	vsub.f32 v44, v41;
	v50 =	vmul.f32 v47, v47;
	v26 =	vadd.f32 v46, v26  }
0x78: {  	v52 =	vperm.xlane v27, v9;
	v53 =	vld [tilespmem:s31+$0x100]  }
0x79: {  	v55 =	vsub.f32 v48, v45;
	v54 =	vmul.f32 v51, v51;
	v26 =	vadd.f32 v50, v26  }
0x7a: {  	v56 =	vperm.xlane v27, v10;
	v57 =	vld [tilespmem:s31+$0x180]  }
0x7b: {  	v58 =	vmul.f32 v55, v55;
	v59 =	vsub.f32 v52, v49;
	v26 =	vadd.f32 v54, v26  }
0x7c: {  	v60 =	vperm.xlane v27, v11;
	v61 =	vld [tilespmem:s31+$0x200]  }
0x7d: {  	v62 =	vmul.f32 v59, v59;
	v63 =	vsub.f32 v56, v53;
	v26 =	vadd.f32 v58, v26  }
0x7e: {  	v36 =	vperm.xlane v27, v12;
	v37 =	vld [tilespmem:s31+$0x280]  }
0x7f: {  	v38 =	vmul.f32 v63, v63;
	v39 =	vsub.f32 v60, v57;
	v26 =	vadd.f32 v62, v26  }
0x80: {  	v40 =	vld [tilespmem:s31+$0x300];
	v41 =	vperm.xlane v27, v13  }
0x81: {  	v43 =	vsub.f32 v36, v61;
	v42 =	vmul.f32 v39, v39;
	v26 =	vadd.f32 v38, v26  }
0x82: {  	v44 =	vperm.xlane v27, v14;
	v45 =	vld [tilespmem:s31+$0x380]  }
0x83: {  	v47 =	vsub.f32 v41, v37;
	v46 =	vmul.f32 v43, v43;
	v26 =	vadd.f32 v42, v26  }
0x84: {  	v27 =	vperm.xlane v27, v16  }
0x85: {  	v49 =	vsub.f32 v44, v40;
	v48 =	vmul.f32 v47, v47;
	v26 =	vadd.f32 v46, v26;
	_ =	sdelay $0x1  }
0x86: {  	v27 =	vsub.f32 v27, v45;
	v50 =	vmul.f32 v49, v49;
	v26 =	vadd.f32 v48, v26;
	_ =	sdelay $0x1  }
0x87: {  	v27 =	vmul.f32 v27, v27;
	v26 =	vadd.f32 v50, v26  }
0x88: {  	v51 =	vor.u32 s18, v20  }
0x89: {  	vm1 =	veq.s32 v51, v23;
	vm2 =	vgt.u32 v51, $0x84;
	v26 =	vadd.f32 v27, v26  }
0x8a: {  	vm1 =	vmor vm1, vm2  }
0x8b: {  	v26 =	vsel vm1, $0x7149F2CA, v26  }
0x8c: {  	v27 =	vmin.f32 v26, $3.999999910e-02  }
0x8d: {  	v52 =	vmul.f32 v27, v19;
	_ =	sdelay $0x1  }
0x8e: {  	v28 =	vadd.f32 $1.000000010e-01, v52;
	_ =	sdelay $0x1  }
0x8f: {  	v28 =	vmul.f32 $5.000000000e-01, v28;
	_ =	sdelay $0x1  }
0x90: {  	(erf) = vrcp.f32 v28;
	_ =	sdelay $0x8  }
0x91: {  	v53 =	vpop (erf)  }
0x92: {  	v29 =	vmul.f32 v53, v27;
	_ =	sdelay $0x1  }
0x93: {  	v28 =	vadd.f32 v29, v28;
	_ =	sdelay $0x1  }
0x94: {  	v28 =	vmul.f32 $5.000000000e-01, v28;
	_ =	sdelay $0x1  }
0x95: {  	(erf) = vrcp.f32 v28;
	_ =	sdelay $0x8  }
0x96: {  	v54 =	vpop (erf)  }
0x97: {  	v29 =	vmul.f32 v54, v27;
	_ =	sdelay $0x1  }
0x98: {  	v28 =	vadd.f32 v29, v28;
	_ =	sdelay $0x1  }
0x99: {  	v28 =	vmul.f32 $5.000000000e-01, v28;
	_ =	sdelay $0x1  }
0x9a: {  	(erf) = vrcp.f32 v28;
	_ =	sdelay $0x8  }
0x9b: {  	v55 =	vpop (erf)  }
0x9c: {  	v29 =	vmul.f32 v55, v27;
	_ =	sdelay $0x1  }
0x9d: {  	v28 =	vadd.f32 v29, v28;
	_ =	sdelay $0x1  }
0x9e: {  	v28 =	vmul.f32 $5.000000000e-01, v28;
	_ =	sdelay $0x1  }
0x9f: {  	(erf) = vrcp.f32 v28;
	_ =	sdelay $0x8  }
0xa0: {  	v56 =	vpop (erf)  }
0xa1: {  	v29 =	vmul.f32 v56, v27;
	_ =	sdelay $0x1  }
0xa2: {  	v28 =	vadd.f32 v29, v28;
	_ =	sdelay $0x1  }
0xa3: {  	v28 =	vmul.f32 $5.000000000e-01, v28;
	_ =	sdelay $0x1  }
0xa4: {  	(erf) = vrcp.f32 v28;
	_ =	sdelay $0x8  }
0xa5: {  	v57 =	vpop (erf)  }
0xa6: {  	v29 =	vmul.f32 v57, v27;
	_ =	sdelay $0x1  }
0xa7: {  	v28 =	vadd.f32 v29, v28;
	_ =	sdelay $0x1  }
0xa8: {  	v28 =	vmul.f32 $5.000000000e-01, v28;
	_ =	sdelay $0x1  }
0xa9: {  	(erf) = vrcp.f32 v28;
	_ =	sdelay $0x8  }
0xaa: {  	v58 =	vpop (erf)  }
0xab: {  	v29 =	vmul.f32 v58, v27;
	_ =	sdelay $0x1  }
0xac: {  	v28 =	vadd.f32 v29, v28;
	_ =	sdelay $0x1  }
0xad: {  	v28 =	vmul.f32 $5.000000000e-01, v28;
	_ =	sdelay $0x1  }
0xae: {  	(erf) = vrcp.f32 v28;
	_ =	sdelay $0x8  }
0xaf: {  	v59 =	vpop (erf)  }
0xb0: {  	v29 =	vmul.f32 v59, v27;
	_ =	sdelay $0x1  }
0xb1: {  	v28 =	vadd.f32 v29, v28;
	_ =	sdelay $0x1  }
0xb2: {  	v28 =	vmul.f32 $5.000000000e-01, v28;
	_ =	sdelay $0x1  }
0xb3: {  	(erf) = vrcp.f32 v28;
	_ =	sdelay $0x8  }
0xb4: {  	v60 =	vpop (erf)  }
0xb5: {  	v29 =	vmul.f32 v60, v27;
	_ =	sdelay $0x1  }
0xb6: {  	v28 =	vadd.f32 v29, v28;
	_ =	sdelay $0x1  }
0xb7: {  	v28 =	vmul.f32 $5.000000000e-01, v28;
	_ =	sdelay $0x1  }
0xb8: {  	(erf) = vrcp.f32 v28;
	_ =	sdelay $0x8  }
0xb9: {  	v61 =	vpop (erf)  }
0xba: {  	v29 =	vmul.f32 v61, v27;
	_ =	sdelay $0x1  }
0xbb: {  	v28 =	vadd.f32 v29, v28;
	_ =	sdelay $0x1  }
0xbc: {  	v28 =	vmul.f32 $5.000000000e-01, v28;
	_ =	sdelay $0x1  }
0xbd: {  	(erf) = vrcp.f32 v28;
	_ =	sdelay $0x8  }
0xbe: {  	v62 =	vpop (erf)  }
0xbf: {  	v29 =	vmul.f32 v62, v27;
	_ =	sdelay $0x1  }
0xc0: {  	v28 =	vadd.f32 v29, v28;
	_ =	sdelay $0x1  }
0xc1: {  	v28 =	vmul.f32 $5.000000000e-01, v28;
	_ =	sdelay $0x1  }
0xc2: {  	(erf) = vrcp.f32 v28;
	_ =	sdelay $0x8  }
0xc3: {  	v63 =	vpop (erf)  }
0xc4: {  	v27 =	vmul.f32 v63, v27;
	_ =	sdelay $0x1  }
0xc5: {  	v27 =	vadd.f32 v27, v28;
	_ =	sdelay $0x1  }
0xc6: {  	s17 =	sadd.s32 $0x1, s17;
	v27 =	vmul.f32 $5.000000000e-01, v27  }
0xc7: {  	p0 =	sne.s32 s17, $0x9  }
.Ltmp1:
0xc8: {  	v27 =	vsub.f32 $2.000000030e-01, v27;
	(pc) =	sbr.rel @p0 .LBB2_3-.Ltmp1, $4  }
0xc9: {  	_ = 	snop  }
0xca: {  	vm1 =	vge.f32 v26, $3.999999910e-02;
	v26 =	vmax.f32 v27, $0.0e+00  }
0xcb: {  	v26 =	vsel vm1, $0x0, v26  }
0xcc: {  	s16 =	sadd.s32 $0x80, s16;
	s15 =	sadd.s32 $0x1, s15;
	v24 =	vmax.f32 v24, v26  }
0xcd: {  	v23 =	vperm.xlane v24, v15;
	_ =	sdelay $0x1  }
0xce: {  	v23 =	vmax.f32 v24, v23  }
0xcf: {  	v24 =	vperm.xlane v23, v17;
	_ =	sdelay $0x1  }
0xd0: {  	v23 =	vmax.f32 v23, v24  }
0xd1: {  	v24 =	vperm.xlane v23, v18;
	_ =	sdelay $0x1  }
0xd2: {  	v23 =	vmax.f32 v23, v24  }
0xd3: {  	v24 =	vperm.xlane v23, v21;
	_ =	sdelay $0x1  }
0xd4: {  	p0 =	slt.u32 s14, $0x85;
	s13 =	sadd.s32 $0x1, s13;
	v23 =	vmax.f32 v23, v24  }
0xd5: {  	v23 =	vpsel !p0, $0x0, v23;
	p0 =	sne.s32 s13, $0x5  }
.Ltmp2:
0xd6: {  	_ = 	snop;
	(pc) =	sbr.rel @p0 .LBB2_2-.Ltmp2, $2  }
0xd7: {  	_ =	sdelay $0x2  }
0xd8: {  	s12 =	sadd.s32 $0x20, s12;
	v22 =	vadd.f32 v23, v22  }
0xd9: {  	s11 =	sadd.s32 $0x1, s11  }
0xda: {  	v22 =	vnsel vm0, $0x0, v22;
	p0 =	sne.s32 s11, s7  }
.Ltmp3:
0xdb: {  	[tilespmem:$0xC400] =	vst v22;
	(pc) =	sbr.rel @p0 .LBB2_1-.Ltmp3, $4  }
0xdc: {  	[hbm4b:s6+s1] =	stream.linear.scatter [tilespmem:s10], [sflag:$0x1], $0x80, $0x38;
	[tilespmem:$0xC480] =	vst v63  }
0xdd: {  	_ =	swait.ge [sflag:s8], $0x80  }
0xde: {  	[sflag:s8] =	ssyncset.done $0x0  }
0xdf: {  	[sflag:s8] =	ssyncadd.s32 $0xFFFFFF80  }
0xe0: {  	_ =	sfence.sel $0x180000  }
0xe1: {  	[bflag:$0x0] =	sbarrier.arrive $0xFFFF  }
0xe2: {  	p0 =	sne.s32 s2, $0x0;
	_ =	strace $0x90000047  }
0xe3: {  	s0 =	sadd.s32 @!p0 $0x100000, s0;
	[bflag:$0x2] =	sbarrier.arrive $0xFFFF  }
0xe4: {  	[sflag:s0] =	ssyncadd.tile.s32 @!p0 $0x1;
	_ =	shalt  }
.Lfunc_end2:
_tile_overlayer_lowered:
.L_overlay_start_2:
0xe5: {  	(tag) =	ssettag $0x2  }
0xe6: {  	s0 =	rddreg [dreg:$0x0];
	s2 =	stileid.u32  }
0xe7: {  	s1 =	rddreg [dreg:$0x1];
	p0 =	sne.s32 s2, $0x0  }
0xe8: {  	s3 =	rddreg [dreg:$0x2];
	[bflag:$0x3] =	sbarrier.arrive $0xFFFF;
	s2 =	simm.s32 @!p0 $0x1C01  }
0xe9: {  	[timem:s3], [sflag:s2] =	dma.local @!p0 [hbm:s0], s1  }
0xea: {  	s0 =	simm.s32 @!p0 $0x1  }
0xeb: {  	_ =	swait.ge @!p0 [sflag:s0], s1  }
0xec: {  	s1 =	ssub.s32 @!p0 $0x0, s1;
	[sflag:s0] =	ssyncset.done @!p0 $0x0  }
0xed: {  	[sflag:s0] =	ssyncadd.s32 @!p0 s1  }
0xee: {  	[bflag:$0x3] =	sbarrier.arrive $0xFFFF  }
0xef: {  	_ =	shalt  }

</sc_bundles>
